<compile_context>
chip_gen: v7x
topology: tpu7x:2x2x1
jax: 0.10.2.dev20260603
libtpu: 0.0.44.dev20260713+nightly
codegen_flags: <defaults>
</compile_context>

<pallas_src>
import functools
import math

import jax
import jax.numpy as jnp
from jax import lax
from jax.experimental import pallas as pl
from jax.experimental.pallas import tpu as pltpu
from jax.experimental.pallas import tpu_sc as plsc

_THETA_FREQ = 6.0
_GAMMA_FREQ = 40.0
_D = 64

_NC = 2
_NS = 16
_NW = _NC * _NS


def _mod_table_body(t_ref, emb_ref, gp_ref, out_ref):
    t = t_ref[0, 0]
    theta_mod = 0.5 + 0.5 * jnp.cos(2.0 * math.pi * _THETA_FREQ * t)
    gamma_t = 2.0 * math.pi * _GAMMA_FREQ * t
    scale = theta_mod * (0.5 + 0.5 * jnp.cos(gamma_t - gp_ref[:, :]))
    out_ref[:, :] = emb_ref[:, :] * scale


def _modulated_table(embeddings, gamma_phases, t):
    n = embeddings.shape[0]
    t_arr = jnp.reshape(t, (1, 1)).astype(jnp.float32)
    gp2d = gamma_phases.reshape(n, 1)
    return pl.pallas_call(
        _mod_table_body,
        out_shape=jax.ShapeDtypeStruct((n, _D), jnp.float32),
        in_specs=[
            pl.BlockSpec(memory_space=pltpu.SMEM),
            pl.BlockSpec(memory_space=pltpu.VMEM),
            pl.BlockSpec(memory_space=pltpu.VMEM),
        ],
    )(t_arr, embeddings, gp2d)


def _sc_gather(flat_ids, table, n_tok, seq, chunk_t):
    n_rows = flat_ids.shape[0]
    per_w = n_rows // _NW
    tok_per_w = n_tok // _NW
    chunk = chunk_t * seq
    n_chunks = per_w // chunk
    assert n_chunks % 2 == 0
    seq_p = -(-seq // 8) * 8
    dp = 128
    mesh = plsc.VectorSubcoreMesh(core_axis_name="c", subcore_axis_name="s")

    @functools.partial(
        pl.kernel,
        out_type=jax.ShapeDtypeStruct((n_tok, seq_p, dp), jnp.float32),
        mesh=mesh,
        scratch_types=[
            pltpu.VMEM((per_w,), jnp.int32),
            pltpu.VMEM_SHARED(table.shape, jnp.float32),
            pltpu.VMEM((chunk, _D), jnp.float32),
            pltpu.VMEM((chunk, _D), jnp.float32),
            pltpu.SemaphoreType.DMA,
            pltpu.SemaphoreType.DMA,
            pltpu.SemaphoreType.DMA,
        ],
        compiler_params=pltpu.CompilerParams(use_tc_tiling_on_sc=False),
    )
    def k(idx_hbm, table_hbm, out_hbm, idx_v, table_sh, buf0, buf1,
          gsem, ssem0, ssem1):
        wid = lax.axis_index("s") * _NC + lax.axis_index("c")
        w_base = wid * per_w
        w_tok = wid * tok_per_w

        @pl.when(lax.axis_index("s") == 0)
        def _():
            pltpu.sync_copy(table_hbm, table_sh)

        pltpu.sync_copy(idx_hbm.at[pl.ds(w_base, per_w)], idx_v)
        plsc.subcore_barrier()

        bufs = (buf0, buf1)
        ssems = (ssem0, ssem1)

        def store_chunk(buf, ssem, tok_base):
            for j in range(chunk_t):
                pltpu.async_copy(
                    buf.at[pl.ds(j * seq, seq)],
                    out_hbm.at[tok_base + j, pl.ds(0, seq), pl.ds(0, _D)],
                    ssem,
                )

        def drain_chunk(buf, ssem):
            for j in range(chunk_t):
                pltpu.make_async_copy(
                    buf.at[pl.ds(j * seq, seq)],
                    out_hbm.at[0, pl.ds(0, seq), pl.ds(0, _D)],
                    ssem,
                ).wait()

        def body(i2, carry):
            for b in range(2):
                i = i2 * 2 + b
                buf, ssem = bufs[b], ssems[b]
                @pl.when(i2 > 0)
                def _():
                    drain_chunk(buf, ssem)

                pltpu.async_copy(
                    table_sh.at[idx_v.at[pl.ds(i * chunk, chunk)]], buf, gsem
                ).wait()
                store_chunk(buf, ssem, w_tok + i * chunk_t)
            return carry

        lax.fori_loop(0, n_chunks // 2, body, 0)
        for b in range(2):
            drain_chunk(bufs[b], ssems[b])

    return k(flat_ids, table)


def kernel(concept_ids, embeddings, gamma_phases, t):
    table = _modulated_table(embeddings, gamma_phases, t)
    flat = concept_ids.reshape(-1).astype(jnp.int32)
    n_tok, seq = concept_ids.shape
    padded = _sc_gather(flat, table, n_tok, seq, chunk_t=8)
    return padded[:, :seq, :_D]

# --- scband reference (transcript-rebuilt; emitter-appended) ---
"""Pipeline reference for scband-oscillatory-binder-49065706389529 (READ-ONLY COPY).

The authoritative reference and input builder live on the scoring server;
editing this copy changes nothing except your own understanding.
"""

import jax, jax.numpy as jnp
import numpy as np
import math

NUM_CONCEPTS = 1000
EMBED_DIM = 64
THETA_FREQ = 6.0
GAMMA_FREQ = 40.0


def setup_inputs(seed: int = 0) -> dict:
    key = jax.random.key(seed)
    k1, k2, k3 = jax.random.split(key, 3)
    concept_ids = jax.random.randint(k1, (16384, 50), 0, NUM_CONCEPTS, dtype=jnp.int64 if jax.config.jax_enable_x64 else jnp.int32)
    embeddings = jax.random.normal(k2, (NUM_CONCEPTS, EMBED_DIM), dtype=jnp.float32)
    gamma_phases = jax.random.uniform(k3, (NUM_CONCEPTS,), dtype=jnp.float32) * 2.0 * math.pi
    t = jnp.array(0.0, dtype=jnp.float32)
    return {"concept_ids": concept_ids, "embeddings": embeddings, "gamma_phases": gamma_phases, "t": t}


def reference(concept_ids, embeddings, gamma_phases, t):
    # emb = self.embeddings(concept_ids)
    emb = jnp.take(embeddings, concept_ids, axis=0)  # [B, L, D]
    flat_ids = concept_ids.reshape(-1)
    # get_modulation(flat_ids)
    theta_phase = 2.0 * math.pi * THETA_FREQ * t
    theta_mod = 0.5 + 0.5 * jnp.cos(theta_phase)
    gp = jnp.take(gamma_phases, flat_ids, axis=0)
    gamma_t = 2.0 * math.pi * GAMMA_FREQ * t
    gamma_mod = 0.5 + 0.5 * jnp.cos(gamma_t - gp)
    modulation = (theta_mod * gamma_mod).reshape(concept_ids.shape + (1,))
    modulated_emb = emb * modulation
    # self.step() mutates gamma_phases/t in-place AFTER computing the output;
    # it does not affect the returned value, so it is omitted here.
    return modulated_emb

if __name__ == "__main__":
    import jax
    _d = setup_inputs()
    print(jax.jit(kernel)(*tuple(_d.values())))

</pallas_src>

<mosaic_0001>
#map = affine_map<(d0, d1) -> (0)>
#map1 = affine_map<(d0, d1) -> (0, 0)>
#map2 = affine_map<(d0, d1) -> (0, 0, 0)>
module attributes {stable_mosaic.version = 14 : i64} {
  func.func @k(%arg0: i32, %arg1: i32, %arg2: memref<819200xi32, #tpu.memory_space<hbm>>, %arg3: memref<1000x64xf32, #tpu.memory_space<hbm>>, %arg4: memref<16384x56x128xf32, #tpu.memory_space<hbm>>, %arg5: memref<25600xi32, #tpu.memory_space<vmem>>, %arg6: memref<1000x64xf32, #tpu.memory_space<vmem_shared>>, %arg7: memref<400x64xf32, #tpu.memory_space<vmem>>, %arg8: memref<400x64xf32, #tpu.memory_space<vmem>>, %arg9: memref<!tpu.dma_semaphore, #tpu.memory_space<semaphore_mem>>, %arg10: memref<!tpu.dma_semaphore, #tpu.memory_space<semaphore_mem>>, %arg11: memref<!tpu.dma_semaphore, #tpu.memory_space<semaphore_mem>>) attributes {dimension_semantics = [#tpu.dimension_semantics<core_parallel>, #tpu.dimension_semantics<subcore_parallel>], iteration_bounds = array<i64: 2, 16>, scalar_prefetch = 0 : i64, scratch_operands = 7 : i64, tpu.core_type = #tpu.core_type<sc_vector_subcore>, window_params = [{transform_indices = #map}, {transform_indices = #map1}, {transform_indices = #map2}]} {
    %mul3A = arith.constant 2 : i32
    %mul3A_0 = arith.muli %arg1, %mul3A : i32
    %add3A = arith.addi %mul3A_0, %arg0 : i32
    %mul3A_1 = arith.constant 25600 : i32
    %mul3A_2 = arith.muli %add3A, %mul3A_1 : i32
    %mul3A_3 = arith.constant 512 : i32
    %mul3A_4 = arith.muli %add3A, %mul3A_3 : i32
    %eq3A = arith.constant 0 : i32
    %eq3A_5 = arith.cmpi eq, %arg1, %eq3A : i32
    %convert_element_type3A = arith.extui %eq3A_5 : i1 to i32
    %cond3A = arith.constant 0 : i32
    %cond3A_6 = arith.cmpi ne, %convert_element_type3A, %cond3A : i32
    scf.if %cond3A_6 {
      "tpu.region"() ({
        %run_scoped3A = tpu.sem_alloc : memref<!tpu.dma_semaphore, #tpu.memory_space<semaphore_mem>>
        tpu.enqueue_dma source(%arg3 : memref<1000x64xf32, #tpu.memory_space<hbm>>) target(%arg6 : memref<1000x64xf32, #tpu.memory_space<vmem_shared>>) target_semaphore(%run_scoped3A : memref<!tpu.dma_semaphore, #tpu.memory_space<semaphore_mem>>)
        tpu.wait_dma2 semaphore(%run_scoped3A : memref<!tpu.dma_semaphore, #tpu.memory_space<semaphore_mem>>) src(%arg3 : memref<1000x64xf32, #tpu.memory_space<hbm>>) dst(%arg6 : memref<1000x64xf32, #tpu.memory_space<vmem_shared>>)
        tpu.yield
      }) : () -> ()
    } else {
    }
    "tpu.region"() ({
      %run_scoped3A = tpu.sem_alloc : memref<!tpu.dma_semaphore, #tpu.memory_space<semaphore_mem>>
      %dma_start3A = tpu.memref_slice %arg2[%mul3A_2] : memref<819200xi32, #tpu.memory_space<hbm>> -> memref<25600xi32, #tpu.memory_space<hbm>>
      %dma_start3A_251 = tpu.memref_slice %arg2[%mul3A_2] : memref<819200xi32, #tpu.memory_space<hbm>> -> memref<25600xi32, #tpu.memory_space<hbm>>
      tpu.enqueue_dma source(%dma_start3A_251 : memref<25600xi32, #tpu.memory_space<hbm>>) target(%arg5 : memref<25600xi32, #tpu.memory_space<vmem>>) target_semaphore(%run_scoped3A : memref<!tpu.dma_semaphore, #tpu.memory_space<semaphore_mem>>)
      %dma_wait3A_252 = tpu.memref_slice %arg2[%mul3A_2] : memref<819200xi32, #tpu.memory_space<hbm>> -> memref<25600xi32, #tpu.memory_space<hbm>>
      %dma_wait3A_253 = tpu.memref_slice %arg2[%mul3A_2] : memref<819200xi32, #tpu.memory_space<hbm>> -> memref<25600xi32, #tpu.memory_space<hbm>>
      tpu.wait_dma2 semaphore(%run_scoped3A : memref<!tpu.dma_semaphore, #tpu.memory_space<semaphore_mem>>) src(%dma_wait3A_253 : memref<25600xi32, #tpu.memory_space<hbm>>) dst(%arg5 : memref<25600xi32, #tpu.memory_space<vmem>>)
      tpu.yield
    }) : () -> ()
    %barrier3A = arith.constant 0 : index
    tpu.barrier barrier_id(%barrier3A)
    %scan3A = arith.constant 0 : i32
    %scan3A_7 = arith.constant 0 : i32
    %scan3A_8 = arith.constant 32 : i32
    %scan3A_9 = arith.addi %scan3A_7, %scan3A_8 : i32
    %scan3A_10 = arith.constant 1 : i32
    scf.for %scan3A_251 = %scan3A_7 to %scan3A_9 step %scan3A_10  : i32 {
      %mul3A_252 = arith.constant 2 : i32
      %mul3A_253 = arith.muli %scan3A_251, %mul3A_252 : i32
      %add3A_254 = arith.constant 0 : i32
      %add3A_255 = arith.addi %mul3A_253, %add3A_254 : i32
      %gt3A = arith.constant 0 : i32
      %gt3A_256 = arith.cmpi sgt, %scan3A_251, %gt3A : i32
      %convert_element_type3A_257 = arith.extui %gt3A_256 : i1 to i32
      %cond3A_258 = arith.constant 0 : i32
      %cond3A_259 = arith.cmpi ne, %convert_element_type3A_257, %cond3A_258 : i32
      scf.if %cond3A_259 {
        %dma_wait3A_550 = arith.constant 0 : i32
        %dma_wait3A_551 = arith.constant 0 : i32
        %dma_wait3A_552 = arith.constant 0 : i32
        %dma_wait3A_553 = tpu.memref_slice %arg7[%dma_wait3A_551, %dma_wait3A_552] : memref<400x64xf32, #tpu.memory_space<vmem>> -> memref<50x64xf32, #tpu.memory_space<vmem>>
        %dma_wait3A_554 = arith.constant 0 : i32
        %dma_wait3A_555 = arith.constant 0 : i32
        %dma_wait3A_556 = tpu.memref_slice %arg4[%dma_wait3A_550, %dma_wait3A_554, %dma_wait3A_555] : memref<16384x56x128xf32, #tpu.memory_space<hbm>> -> memref<1x50x64xf32, #tpu.memory_space<hbm>>
        %dma_wait3A_557 = tpu.memref_squeeze %dma_wait3A_556 : memref<1x50x64xf32, #tpu.memory_space<hbm>> -> memref<50x64xf32, #tpu.memory_space<hbm>>
        %dma_wait3A_558 = arith.constant 0 : i32
        %dma_wait3A_559 = arith.constant 0 : i32
        %dma_wait3A_560 = tpu.memref_slice %arg4[%dma_wait3A_550, %dma_wait3A_558, %dma_wait3A_559] : memref<16384x56x128xf32, #tpu.memory_space<hbm>> -> memref<1x50x64xf32, #tpu.memory_space<hbm>>
        %dma_wait3A_561 = tpu.memref_squeeze %dma_wait3A_560 : memref<1x50x64xf32, #tpu.memory_space<hbm>> -> memref<50x64xf32, #tpu.memory_space<hbm>>
        %dma_wait3A_562 = arith.constant 0 : i32
        %dma_wait3A_563 = arith.constant 0 : i32
        %dma_wait3A_564 = tpu.memref_slice %arg7[%dma_wait3A_562, %dma_wait3A_563] : memref<400x64xf32, #tpu.memory_space<vmem>> -> memref<50x64xf32, #tpu.memory_space<vmem>>
        tpu.wait_dma2 semaphore(%arg10 : memref<!tpu.dma_semaphore, #tpu.memory_space<semaphore_mem>>) src(%dma_wait3A_564 : memref<50x64xf32, #tpu.memory_space<vmem>>) dst(%dma_wait3A_561 : memref<50x64xf32, #tpu.memory_space<hbm>>)
        %dma_wait3A_565 = arith.constant 0 : i32
        %dma_wait3A_566 = arith.constant 50 : i32
        %dma_wait3A_567 = arith.constant 0 : i32
        %dma_wait3A_568 = tpu.memref_slice %arg7[%dma_wait3A_566, %dma_wait3A_567] : memref<400x64xf32, #tpu.memory_space<vmem>> -> memref<50x64xf32, #tpu.memory_space<vmem>>
        %dma_wait3A_569 = arith.constant 0 : i32
        %dma_wait3A_570 = arith.constant 0 : i32
        %dma_wait3A_571 = tpu.memref_slice %arg4[%dma_wait3A_565, %dma_wait3A_569, %dma_wait3A_570] : memref<16384x56x128xf32, #tpu.memory_space<hbm>> -> memref<1x50x64xf32, #tpu.memory_space<hbm>>
        %dma_wait3A_572 = tpu.memref_squeeze %dma_wait3A_571 : memref<1x50x64xf32, #tpu.memory_space<hbm>> -> memref<50x64xf32, #tpu.memory_space<hbm>>
        %dma_wait3A_573 = arith.constant 0 : i32
        %dma_wait3A_574 = arith.constant 0 : i32
        %dma_wait3A_575 = tpu.memref_slice %arg4[%dma_wait3A_565, %dma_wait3A_573, %dma_wait3A_574] : memref<16384x56x128xf32, #tpu.memory_space<hbm>> -> memref<1x50x64xf32, #tpu.memory_space<hbm>>
        %dma_wait3A_576 = tpu.memref_squeeze %dma_wait3A_575 : memref<1x50x64xf32, #tpu.memory_space<hbm>> -> memref<50x64xf32, #tpu.memory_space<hbm>>
        %dma_wait3A_577 = arith.constant 50 : i32
        %dma_wait3A_578 = arith.constant 0 : i32
        %dma_wait3A_579 = tpu.memref_slice %arg7[%dma_wait3A_577, %dma_wait3A_578] : memref<400x64xf32, #tpu.memory_space<vmem>> -> memref<50x64xf32, #tpu.memory_space<vmem>>
        tpu.wait_dma2 semaphore(%arg10 : memref<!tpu.dma_semaphore, #tpu.memory_space<semaphore_mem>>) src(%dma_wait3A_579 : memref<50x64xf32, #tpu.memory_space<vmem>>) dst(%dma_wait3A_576 : memref<50x64xf32, #tpu.memory_space<hbm>>)
        %dma_wait3A_580 = arith.constant 0 : i32
        %dma_wait3A_581 = arith.constant 100 : i32
        %dma_wait3A_582 = arith.constant 0 : i32
        %dma_wait3A_583 = tpu.memref_slice %arg7[%dma_wait3A_581, %dma_wait3A_582] : memref<400x64xf32, #tpu.memory_space<vmem>> -> memref<50x64xf32, #tpu.memory_space<vmem>>
        %dma_wait3A_584 = arith.constant 0 : i32
        %dma_wait3A_585 = arith.constant 0 : i32
        %dma_wait3A_586 = tpu.memref_slice %arg4[%dma_wait3A_580, %dma_wait3A_584, %dma_wait3A_585] : memref<16384x56x128xf32, #tpu.memory_space<hbm>> -> memref<1x50x64xf32, #tpu.memory_space<hbm>>
        %dma_wait3A_587 = tpu.memref_squeeze %dma_wait3A_586 : memref<1x50x64xf32, #tpu.memory_space<hbm>> -> memref<50x64xf32, #tpu.memory_space<hbm>>
        %dma_wait3A_588 = arith.constant 0 : i32
        %dma_wait3A_589 = arith.constant 0 : i32
        %dma_wait3A_590 = tpu.memref_slice %arg4[%dma_wait3A_580, %dma_wait3A_588, %dma_wait3A_589] : memref<16384x56x128xf32, #tpu.memory_space<hbm>> -> memref<1x50x64xf32, #tpu.memory_space<hbm>>
        %dma_wait3A_591 = tpu.memref_squeeze %dma_wait3A_590 : memref<1x50x64xf32, #tpu.memory_space<hbm>> -> memref<50x64xf32, #tpu.memory_space<hbm>>
        %dma_wait3A_592 = arith.constant 100 : i32
        %dma_wait3A_593 = arith.constant 0 : i32
        %dma_wait3A_594 = tpu.memref_slice %arg7[%dma_wait3A_592, %dma_wait3A_593] : memref<400x64xf32, #tpu.memory_space<vmem>> -> memref<50x64xf32, #tpu.memory_space<vmem>>
        tpu.wait_dma2 semaphore(%arg10 : memref<!tpu.dma_semaphore, #tpu.memory_space<semaphore_mem>>) src(%dma_wait3A_594 : memref<50x64xf32, #tpu.memory_space<vmem>>) dst(%dma_wait3A_591 : memref<50x64xf32, #tpu.memory_space<hbm>>)
        %dma_wait3A_595 = arith.constant 0 : i32
        %dma_wait3A_596 = arith.constant 150 : i32
        %dma_wait3A_597 = arith.constant 0 : i32
        %dma_wait3A_598 = tpu.memref_slice %arg7[%dma_wait3A_596, %dma_wait3A_597] : memref<400x64xf32, #tpu.memory_space<vmem>> -> memref<50x64xf32, #tpu.memory_space<vmem>>
        %dma_wait3A_599 = arith.constant 0 : i32
        %dma_wait3A_600 = arith.constant 0 : i32
        %dma_wait3A_601 = tpu.memref_slice %arg4[%dma_wait3A_595, %dma_wait3A_599, %dma_wait3A_600] : memref<16384x56x128xf32, #tpu.memory_space<hbm>> -> memref<1x50x64xf32, #tpu.memory_space<hbm>>
        %dma_wait3A_602 = tpu.memref_squeeze %dma_wait3A_601 : memref<1x50x64xf32, #tpu.memory_space<hbm>> -> memref<50x64xf32, #tpu.memory_space<hbm>>
        %dma_wait3A_603 = arith.constant 0 : i32
        %dma_wait3A_604 = arith.constant 0 : i32
        %dma_wait3A_605 = tpu.memref_slice %arg4[%dma_wait3A_595, %dma_wait3A_603, %dma_wait3A_604] : memref<16384x56x128xf32, #tpu.memory_space<hbm>> -> memref<1x50x64xf32, #tpu.memory_space<hbm>>
        %dma_wait3A_606 = tpu.memref_squeeze %dma_wait3A_605 : memref<1x50x64xf32, #tpu.memory_space<hbm>> -> memref<50x64xf32, #tpu.memory_space<hbm>>
        %dma_wait3A_607 = arith.constant 150 : i32
        %dma_wait3A_608 = arith.constant 0 : i32
        %dma_wait3A_609 = tpu.memref_slice %arg7[%dma_wait3A_607, %dma_wait3A_608] : memref<400x64xf32, #tpu.memory_space<vmem>> -> memref<50x64xf32, #tpu.memory_space<vmem>>
        tpu.wait_dma2 semaphore(%arg10 : memref<!tpu.dma_semaphore, #tpu.memory_space<semaphore_mem>>) src(%dma_wait3A_609 : memref<50x64xf32, #tpu.memory_space<vmem>>) dst(%dma_wait3A_606 : memref<50x64xf32, #tpu.memory_space<hbm>>)
        %dma_wait3A_610 = arith.constant 0 : i32
        %dma_wait3A_611 = arith.constant 200 : i32
        %dma_wait3A_612 = arith.constant 0 : i32
        %dma_wait3A_613 = tpu.memref_slice %arg7[%dma_wait3A_611, %dma_wait3A_612] : memref<400x64xf32, #tpu.memory_space<vmem>> -> memref<50x64xf32, #tpu.memory_space<vmem>>
        %dma_wait3A_614 = arith.constant 0 : i32
        %dma_wait3A_615 = arith.constant 0 : i32
        %dma_wait3A_616 = tpu.memref_slice %arg4[%dma_wait3A_610, %dma_wait3A_614, %dma_wait3A_615] : memref<16384x56x128xf32, #tpu.memory_space<hbm>> -> memref<1x50x64xf32, #tpu.memory_space<hbm>>
        %dma_wait3A_617 = tpu.memref_squeeze %dma_wait3A_616 : memref<1x50x64xf32, #tpu.memory_space<hbm>> -> memref<50x64xf32, #tpu.memory_space<hbm>>
        %dma_wait3A_618 = arith.constant 0 : i32
        %dma_wait3A_619 = arith.constant 0 : i32
        %dma_wait3A_620 = tpu.memref_slice %arg4[%dma_wait3A_610, %dma_wait3A_618, %dma_wait3A_619] : memref<16384x56x128xf32, #tpu.memory_space<hbm>> -> memref<1x50x64xf32, #tpu.memory_space<hbm>>
        %dma_wait3A_621 = tpu.memref_squeeze %dma_wait3A_620 : memref<1x50x64xf32, #tpu.memory_space<hbm>> -> memref<50x64xf32, #tpu.memory_space<hbm>>
        %dma_wait3A_622 = arith.constant 200 : i32
        %dma_wait3A_623 = arith.constant 0 : i32
        %dma_wait3A_624 = tpu.memref_slice %arg7[%dma_wait3A_622, %dma_wait3A_623] : memref<400x64xf32, #tpu.memory_space<vmem>> -> memref<50x64xf32, #tpu.memory_space<vmem>>
        tpu.wait_dma2 semaphore(%arg10 : memref<!tpu.dma_semaphore, #tpu.memory_space<semaphore_mem>>) src(%dma_wait3A_624 : memref<50x64xf32, #tpu.memory_space<vmem>>) dst(%dma_wait3A_621 : memref<50x64xf32, #tpu.memory_space<hbm>>)
        %dma_wait3A_625 = arith.constant 0 : i32
        %dma_wait3A_626 = arith.constant 250 : i32
        %dma_wait3A_627 = arith.constant 0 : i32
        %dma_wait3A_628 = tpu.memref_slice %arg7[%dma_wait3A_626, %dma_wait3A_627] : memref<400x64xf32, #tpu.memory_space<vmem>> -> memref<50x64xf32, #tpu.memory_space<vmem>>
        %dma_wait3A_629 = arith.constant 0 : i32
        %dma_wait3A_630 = arith.constant 0 : i32
        %dma_wait3A_631 = tpu.memref_slice %arg4[%dma_wait3A_625, %dma_wait3A_629, %dma_wait3A_630] : memref<16384x56x128xf32, #tpu.memory_space<hbm>> -> memref<1x50x64xf32, #tpu.memory_space<hbm>>
        %dma_wait3A_632 = tpu.memref_squeeze %dma_wait3A_631 : memref<1x50x64xf32, #tpu.memory_space<hbm>> -> memref<50x64xf32, #tpu.memory_space<hbm>>
        %dma_wait3A_633 = arith.constant 0 : i32
        %dma_wait3A_634 = arith.constant 0 : i32
        %dma_wait3A_635 = tpu.memref_slice %arg4[%dma_wait3A_625, %dma_wait3A_633, %dma_wait3A_634] : memref<16384x56x128xf32, #tpu.memory_space<hbm>> -> memref<1x50x64xf32, #tpu.memory_space<hbm>>
        %dma_wait3A_636 = tpu.memref_squeeze %dma_wait3A_635 : memref<1x50x64xf32, #tpu.memory_space<hbm>> -> memref<50x64xf32, #tpu.memory_space<hbm>>
        %dma_wait3A_637 = arith.constant 250 : i32
        %dma_wait3A_638 = arith.constant 0 : i32
        %dma_wait3A_639 = tpu.memref_slice %arg7[%dma_wait3A_637, %dma_wait3A_638] : memref<400x64xf32, #tpu.memory_space<vmem>> -> memref<50x64xf32, #tpu.memory_space<vmem>>
        tpu.wait_dma2 semaphore(%arg10 : memref<!tpu.dma_semaphore, #tpu.memory_space<semaphore_mem>>) src(%dma_wait3A_639 : memref<50x64xf32, #tpu.memory_space<vmem>>) dst(%dma_wait3A_636 : memref<50x64xf32, #tpu.memory_space<hbm>>)
        %dma_wait3A_640 = arith.constant 0 : i32
        %dma_wait3A_641 = arith.constant 300 : i32
        %dma_wait3A_642 = arith.constant 0 : i32
        %dma_wait3A_643 = tpu.memref_slice %arg7[%dma_wait3A_641, %dma_wait3A_642] : memref<400x64xf32, #tpu.memory_space<vmem>> -> memref<50x64xf32, #tpu.memory_space<vmem>>
        %dma_wait3A_644 = arith.constant 0 : i32
        %dma_wait3A_645 = arith.constant 0 : i32
        %dma_wait3A_646 = tpu.memref_slice %arg4[%dma_wait3A_640, %dma_wait3A_644, %dma_wait3A_645] : memref<16384x56x128xf32, #tpu.memory_space<hbm>> -> memref<1x50x64xf32, #tpu.memory_space<hbm>>
        %dma_wait3A_647 = tpu.memref_squeeze %dma_wait3A_646 : memref<1x50x64xf32, #tpu.memory_space<hbm>> -> memref<50x64xf32, #tpu.memory_space<hbm>>
        %dma_wait3A_648 = arith.constant 0 : i32
        %dma_wait3A_649 = arith.constant 0 : i32
        %dma_wait3A_650 = tpu.memref_slice %arg4[%dma_wait3A_640, %dma_wait3A_648, %dma_wait3A_649] : memref<16384x56x128xf32, #tpu.memory_space<hbm>> -> memref<1x50x64xf32, #tpu.memory_space<hbm>>
        %dma_wait3A_651 = tpu.memref_squeeze %dma_wait3A_650 : memref<1x50x64xf32, #tpu.memory_space<hbm>> -> memref<50x64xf32, #tpu.memory_space<hbm>>
        %dma_wait3A_652 = arith.constant 300 : i32
        %dma_wait3A_653 = arith.constant 0 : i32
        %dma_wait3A_654 = tpu.memref_slice %arg7[%dma_wait3A_652, %dma_wait3A_653] : memref<400x64xf32, #tpu.memory_space<vmem>> -> memref<50x64xf32, #tpu.memory_space<vmem>>
        tpu.wait_dma2 semaphore(%arg10 : memref<!tpu.dma_semaphore, #tpu.memory_space<semaphore_mem>>) src(%dma_wait3A_654 : memref<50x64xf32, #tpu.memory_space<vmem>>) dst(%dma_wait3A_651 : memref<50x64xf32, #tpu.memory_space<hbm>>)
        %dma_wait3A_655 = arith.constant 0 : i32
        %dma_wait3A_656 = arith.constant 350 : i32
        %dma_wait3A_657 = arith.constant 0 : i32
        %dma_wait3A_658 = tpu.memref_slice %arg7[%dma_wait3A_656, %dma_wait3A_657] : memref<400x64xf32, #tpu.memory_space<vmem>> -> memref<50x64xf32, #tpu.memory_space<vmem>>
        %dma_wait3A_659 = arith.constant 0 : i32
        %dma_wait3A_660 = arith.constant 0 : i32
        %dma_wait3A_661 = tpu.memref_slice %arg4[%dma_wait3A_655, %dma_wait3A_659, %dma_wait3A_660] : memref<16384x56x128xf32, #tpu.memory_space<hbm>> -> memref<1x50x64xf32, #tpu.memory_space<hbm>>
        %dma_wait3A_662 = tpu.memref_squeeze %dma_wait3A_661 : memref<1x50x64xf32, #tpu.memory_space<hbm>> -> memref<50x64xf32, #tpu.memory_space<hbm>>
        %dma_wait3A_663 = arith.constant 0 : i32
        %dma_wait3A_664 = arith.constant 0 : i32
        %dma_wait3A_665 = tpu.memref_slice %arg4[%dma_wait3A_655, %dma_wait3A_663, %dma_wait3A_664] : memref<16384x56x128xf32, #tpu.memory_space<hbm>> -> memref<1x50x64xf32, #tpu.memory_space<hbm>>
        %dma_wait3A_666 = tpu.memref_squeeze %dma_wait3A_665 : memref<1x50x64xf32, #tpu.memory_space<hbm>> -> memref<50x64xf32, #tpu.memory_space<hbm>>
        %dma_wait3A_667 = arith.constant 350 : i32
        %dma_wait3A_668 = arith.constant 0 : i32
        %dma_wait3A_669 = tpu.memref_slice %arg7[%dma_wait3A_667, %dma_wait3A_668] : memref<400x64xf32, #tpu.memory_space<vmem>> -> memref<50x64xf32, #tpu.memory_space<vmem>>
        tpu.wait_dma2 semaphore(%arg10 : memref<!tpu.dma_semaphore, #tpu.memory_space<semaphore_mem>>) src(%dma_wait3A_669 : memref<50x64xf32, #tpu.memory_space<vmem>>) dst(%dma_wait3A_666 : memref<50x64xf32, #tpu.memory_space<hbm>>)
      } else {
      }
      %mul3A_260 = arith.constant 400 : i32
      %mul3A_261 = arith.muli %add3A_255, %mul3A_260 : i32
      %dma_start3A = tpu.memref_slice %arg5[%mul3A_261] : memref<25600xi32, #tpu.memory_space<vmem>> -> memref<400xi32, #tpu.memory_space<vmem>>
      %dma_start3A_262 = arith.constant 0 : i32
      %dma_start3A_263 = arith.constant 0 : i32
      %dma_start3A_264 = tpu.memref_slice %arg6[%dma_start3A_262, %dma_start3A_263] : memref<1000x64xf32, #tpu.memory_space<vmem_shared>> -> memref<1000x64xf32, #tpu.memory_space<vmem_shared>>
      tpu.enqueue_indirect_dma source(%dma_start3A_264 : memref<1000x64xf32, #tpu.memory_space<vmem_shared>>) target(%arg7 : memref<400x64xf32, #tpu.memory_space<vmem>>) offsets(%dma_start3A : memref<400xi32, #tpu.memory_space<vmem>>) semaphore(%arg9 : memref<!tpu.dma_semaphore, #tpu.memory_space<semaphore_mem>>)
      %dma_wait3A_265 = tpu.memref_slice %arg5[%mul3A_261] : memref<25600xi32, #tpu.memory_space<vmem>> -> memref<400xi32, #tpu.memory_space<vmem>>
      %dma_wait3A_266 = arith.constant 0 : i32
      %dma_wait3A_267 = arith.constant 0 : i32
      %dma_wait3A_268 = tpu.memref_slice %arg6[%dma_wait3A_266, %dma_wait3A_267] : memref<1000x64xf32, #tpu.memory_space<vmem_shared>> -> memref<1000x64xf32, #tpu.memory_space<vmem_shared>>
      tpu.wait_indirect_dma semaphore(%arg9 : memref<!tpu.dma_semaphore, #tpu.memory_space<semaphore_mem>>) src(%dma_wait3A_268 : memref<1000x64xf32, #tpu.memory_space<vmem_shared>>) dst(%arg7 : memref<400x64xf32, #tpu.memory_space<vmem>>)
      %mul3A_269 = arith.constant 8 : i32
      %mul3A_270 = arith.muli %add3A_255, %mul3A_269 : i32
      %add3A_271 = arith.addi %mul3A_4, %mul3A_270 : i32
      %add3A_272 = arith.constant 0 : i32
      %add3A_273 = arith.addi %add3A_271, %add3A_272 : i32
      %dma_start3A_274 = arith.constant 0 : i32
      %dma_start3A_275 = arith.constant 0 : i32
      %dma_start3A_276 = tpu.memref_slice %arg7[%dma_start3A_274, %dma_start3A_275] : memref<400x64xf32, #tpu.memory_space<vmem>> -> memref<50x64xf32, #tpu.memory_space<vmem>>
      %dma_start3A_277 = arith.constant 0 : i32
      %dma_start3A_278 = arith.constant 0 : i32
      %dma_start3A_279 = tpu.memref_slice %arg4[%add3A_273, %dma_start3A_277, %dma_start3A_278] : memref<16384x56x128xf32, #tpu.memory_space<hbm>> -> memref<1x50x64xf32, #tpu.memory_space<hbm>>
      %dma_start3A_280 = tpu.memref_squeeze %dma_start3A_279 : memref<1x50x64xf32, #tpu.memory_space<hbm>> -> memref<50x64xf32, #tpu.memory_space<hbm>>
      %dma_start3A_281 = arith.constant 0 : i32
      %dma_start3A_282 = arith.constant 0 : i32
      %dma_start3A_283 = tpu.memref_slice %arg4[%add3A_273, %dma_start3A_281, %dma_start3A_282] : memref<16384x56x128xf32, #tpu.memory_space<hbm>> -> memref<1x50x64xf32, #tpu.memory_space<hbm>>
      %dma_start3A_284 = tpu.memref_squeeze %dma_start3A_283 : memref<1x50x64xf32, #tpu.memory_space<hbm>> -> memref<50x64xf32, #tpu.memory_space<hbm>>
      %dma_start3A_285 = arith.constant 0 : i32
      %dma_start3A_286 = arith.constant 0 : i32
      %dma_start3A_287 = tpu.memref_slice %arg7[%dma_start3A_285, %dma_start3A_286] : memref<400x64xf32, #tpu.memory_space<vmem>> -> memref<50x64xf32, #tpu.memory_space<vmem>>
      tpu.enqueue_dma source(%dma_start3A_287 : memref<50x64xf32, #tpu.memory_space<vmem>>) target(%dma_start3A_284 : memref<50x64xf32, #tpu.memory_space<hbm>>) target_semaphore(%arg10 : memref<!tpu.dma_semaphore, #tpu.memory_space<semaphore_mem>>)
      %add3A_288 = arith.constant 1 : i32
      %add3A_289 = arith.addi %add3A_271, %add3A_288 : i32
      %dma_start3A_290 = arith.constant 50 : i32
      %dma_start3A_291 = arith.constant 0 : i32
      %dma_start3A_292 = tpu.memref_slice %arg7[%dma_start3A_290, %dma_start3A_291] : memref<400x64xf32, #tpu.memory_space<vmem>> -> memref<50x64xf32, #tpu.memory_space<vmem>>
      %dma_start3A_293 = arith.constant 0 : i32
      %dma_start3A_294 = arith.constant 0 : i32
      %dma_start3A_295 = tpu.memref_slice %arg4[%add3A_289, %dma_start3A_293, %dma_start3A_294] : memref<16384x56x128xf32, #tpu.memory_space<hbm>> -> memref<1x50x64xf32, #tpu.memory_space<hbm>>
      %dma_start3A_296 = tpu.memref_squeeze %dma_start3A_295 : memref<1x50x64xf32, #tpu.memory_space<hbm>> -> memref<50x64xf32, #tpu.memory_space<hbm>>
      %dma_start3A_297 = arith.constant 0 : i32
      %dma_start3A_298 = arith.constant 0 : i32
      %dma_start3A_299 = tpu.memref_slice %arg4[%add3A_289, %dma_start3A_297, %dma_start3A_298] : memref<16384x56x128xf32, #tpu.memory_space<hbm>> -> memref<1x50x64xf32, #tpu.memory_space<hbm>>
      %dma_start3A_300 = tpu.memref_squeeze %dma_start3A_299 : memref<1x50x64xf32, #tpu.memory_space<hbm>> -> memref<50x64xf32, #tpu.memory_space<hbm>>
      %dma_start3A_301 = arith.constant 50 : i32
      %dma_start3A_302 = arith.constant 0 : i32
      %dma_start3A_303 = tpu.memref_slice %arg7[%dma_start3A_301, %dma_start3A_302] : memref<400x64xf32, #tpu.memory_space<vmem>> -> memref<50x64xf32, #tpu.memory_space<vmem>>
      tpu.enqueue_dma source(%dma_start3A_303 : memref<50x64xf32, #tpu.memory_space<vmem>>) target(%dma_start3A_300 : memref<50x64xf32, #tpu.memory_space<hbm>>) target_semaphore(%arg10 : memref<!tpu.dma_semaphore, #tpu.memory_space<semaphore_mem>>)
      %add3A_304 = arith.constant 2 : i32
      %add3A_305 = arith.addi %add3A_271, %add3A_304 : i32
      %dma_start3A_306 = arith.constant 100 : i32
      %dma_start3A_307 = arith.constant 0 : i32
      %dma_start3A_308 = tpu.memref_slice %arg7[%dma_start3A_306, %dma_start3A_307] : memref<400x64xf32, #tpu.memory_space<vmem>> -> memref<50x64xf32, #tpu.memory_space<vmem>>
      %dma_start3A_309 = arith.constant 0 : i32
      %dma_start3A_310 = arith.constant 0 : i32
      %dma_start3A_311 = tpu.memref_slice %arg4[%add3A_305, %dma_start3A_309, %dma_start3A_310] : memref<16384x56x128xf32, #tpu.memory_space<hbm>> -> memref<1x50x64xf32, #tpu.memory_space<hbm>>
      %dma_start3A_312 = tpu.memref_squeeze %dma_start3A_311 : memref<1x50x64xf32, #tpu.memory_space<hbm>> -> memref<50x64xf32, #tpu.memory_space<hbm>>
      %dma_start3A_313 = arith.constant 0 : i32
      %dma_start3A_314 = arith.constant 0 : i32
      %dma_start3A_315 = tpu.memref_slice %arg4[%add3A_305, %dma_start3A_313, %dma_start3A_314] : memref<16384x56x128xf32, #tpu.memory_space<hbm>> -> memref<1x50x64xf32, #tpu.memory_space<hbm>>
      %dma_start3A_316 = tpu.memref_squeeze %dma_start3A_315 : memref<1x50x64xf32, #tpu.memory_space<hbm>> -> memref<50x64xf32, #tpu.memory_space<hbm>>
      %dma_start3A_317 = arith.constant 100 : i32
      %dma_start3A_318 = arith.constant 0 : i32
      %dma_start3A_319 = tpu.memref_slice %arg7[%dma_start3A_317, %dma_start3A_318] : memref<400x64xf32, #tpu.memory_space<vmem>> -> memref<50x64xf32, #tpu.memory_space<vmem>>
      tpu.enqueue_dma source(%dma_start3A_319 : memref<50x64xf32, #tpu.memory_space<vmem>>) target(%dma_start3A_316 : memref<50x64xf32, #tpu.memory_space<hbm>>) target_semaphore(%arg10 : memref<!tpu.dma_semaphore, #tpu.memory_space<semaphore_mem>>)
      %add3A_320 = arith.constant 3 : i32
      %add3A_321 = arith.addi %add3A_271, %add3A_320 : i32
      %dma_start3A_322 = arith.constant 150 : i32
      %dma_start3A_323 = arith.constant 0 : i32
      %dma_start3A_324 = tpu.memref_slice %arg7[%dma_start3A_322, %dma_start3A_323] : memref<400x64xf32, #tpu.memory_space<vmem>> -> memref<50x64xf32, #tpu.memory_space<vmem>>
      %dma_start3A_325 = arith.constant 0 : i32
      %dma_start3A_326 = arith.constant 0 : i32
      %dma_start3A_327 = tpu.memref_slice %arg4[%add3A_321, %dma_start3A_325, %dma_start3A_326] : memref<16384x56x128xf32, #tpu.memory_space<hbm>> -> memref<1x50x64xf32, #tpu.memory_space<hbm>>
      %dma_start3A_328 = tpu.memref_squeeze %dma_start3A_327 : memref<1x50x64xf32, #tpu.memory_space<hbm>> -> memref<50x64xf32, #tpu.memory_space<hbm>>
      %dma_start3A_329 = arith.constant 0 : i32
      %dma_start3A_330 = arith.constant 0 : i32
      %dma_start3A_331 = tpu.memref_slice %arg4[%add3A_321, %dma_start3A_329, %dma_start3A_330] : memref<16384x56x128xf32, #tpu.memory_space<hbm>> -> memref<1x50x64xf32, #tpu.memory_space<hbm>>
      %dma_start3A_332 = tpu.memref_squeeze %dma_start3A_331 : memref<1x50x64xf32, #tpu.memory_space<hbm>> -> memref<50x64xf32, #tpu.memory_space<hbm>>
      %dma_start3A_333 = arith.constant 150 : i32
      %dma_start3A_334 = arith.constant 0 : i32
      %dma_start3A_335 = tpu.memref_slice %arg7[%dma_start3A_333, %dma_start3A_334] : memref<400x64xf32, #tpu.memory_space<vmem>> -> memref<50x64xf32, #tpu.memory_space<vmem>>
      tpu.enqueue_dma source(%dma_start3A_335 : memref<50x64xf32, #tpu.memory_space<vmem>>) target(%dma_start3A_332 : memref<50x64xf32, #tpu.memory_space<hbm>>) target_semaphore(%arg10 : memref<!tpu.dma_semaphore, #tpu.memory_space<semaphore_mem>>)
      %add3A_336 = arith.constant 4 : i32
      %add3A_337 = arith.addi %add3A_271, %add3A_336 : i32
      %dma_start3A_338 = arith.constant 200 : i32
      %dma_start3A_339 = arith.constant 0 : i32
      %dma_start3A_340 = tpu.memref_slice %arg7[%dma_start3A_338, %dma_start3A_339] : memref<400x64xf32, #tpu.memory_space<vmem>> -> memref<50x64xf32, #tpu.memory_space<vmem>>
      %dma_start3A_341 = arith.constant 0 : i32
      %dma_start3A_342 = arith.constant 0 : i32
      %dma_start3A_343 = tpu.memref_slice %arg4[%add3A_337, %dma_start3A_341, %dma_start3A_342] : memref<16384x56x128xf32, #tpu.memory_space<hbm>> -> memref<1x50x64xf32, #tpu.memory_space<hbm>>
      %dma_start3A_344 = tpu.memref_squeeze %dma_start3A_343 : memref<1x50x64xf32, #tpu.memory_space<hbm>> -> memref<50x64xf32, #tpu.memory_space<hbm>>
      %dma_start3A_345 = arith.constant 0 : i32
      %dma_start3A_346 = arith.constant 0 : i32
      %dma_start3A_347 = tpu.memref_slice %arg4[%add3A_337, %dma_start3A_345, %dma_start3A_346] : memref<16384x56x128xf32, #tpu.memory_space<hbm>> -> memref<1x50x64xf32, #tpu.memory_space<hbm>>
      %dma_start3A_348 = tpu.memref_squeeze %dma_start3A_347 : memref<1x50x64xf32, #tpu.memory_space<hbm>> -> memref<50x64xf32, #tpu.memory_space<hbm>>
      %dma_start3A_349 = arith.constant 200 : i32
      %dma_start3A_350 = arith.constant 0 : i32
      %dma_start3A_351 = tpu.memref_slice %arg7[%dma_start3A_349, %dma_start3A_350] : memref<400x64xf32, #tpu.memory_space<vmem>> -> memref<50x64xf32, #tpu.memory_space<vmem>>
      tpu.enqueue_dma source(%dma_start3A_351 : memref<50x64xf32, #tpu.memory_space<vmem>>) target(%dma_start3A_348 : memref<50x64xf32, #tpu.memory_space<hbm>>) target_semaphore(%arg10 : memref<!tpu.dma_semaphore, #tpu.memory_space<semaphore_mem>>)
      %add3A_352 = arith.constant 5 : i32
      %add3A_353 = arith.addi %add3A_271, %add3A_352 : i32
      %dma_start3A_354 = arith.constant 250 : i32
      %dma_start3A_355 = arith.constant 0 : i32
      %dma_start3A_356 = tpu.memref_slice %arg7[%dma_start3A_354, %dma_start3A_355] : memref<400x64xf32, #tpu.memory_space<vmem>> -> memref<50x64xf32, #tpu.memory_space<vmem>>
      %dma_start3A_357 = arith.constant 0 : i32
      %dma_start3A_358 = arith.constant 0 : i32
      %dma_start3A_359 = tpu.memref_slice %arg4[%add3A_353, %dma_start3A_357, %dma_start3A_358] : memref<16384x56x128xf32, #tpu.memory_space<hbm>> -> memref<1x50x64xf32, #tpu.memory_space<hbm>>
      %dma_start3A_360 = tpu.memref_squeeze %dma_start3A_359 : memref<1x50x64xf32, #tpu.memory_space<hbm>> -> memref<50x64xf32, #tpu.memory_space<hbm>>
      %dma_start3A_361 = arith.constant 0 : i32
      %dma_start3A_362 = arith.constant 0 : i32
      %dma_start3A_363 = tpu.memref_slice %arg4[%add3A_353, %dma_start3A_361, %dma_start3A_362] : memref<16384x56x128xf32, #tpu.memory_space<hbm>> -> memref<1x50x64xf32, #tpu.memory_space<hbm>>
      %dma_start3A_364 = tpu.memref_squeeze %dma_start3A_363 : memref<1x50x64xf32, #tpu.memory_space<hbm>> -> memref<50x64xf32, #tpu.memory_space<hbm>>
      %dma_start3A_365 = arith.constant 250 : i32
      %dma_start3A_366 = arith.constant 0 : i32
      %dma_start3A_367 = tpu.memref_slice %arg7[%dma_start3A_365, %dma_start3A_366] : memref<400x64xf32, #tpu.memory_space<vmem>> -> memref<50x64xf32, #tpu.memory_space<vmem>>
      tpu.enqueue_dma source(%dma_start3A_367 : memref<50x64xf32, #tpu.memory_space<vmem>>) target(%dma_start3A_364 : memref<50x64xf32, #tpu.memory_space<hbm>>) target_semaphore(%arg10 : memref<!tpu.dma_semaphore, #tpu.memory_space<semaphore_mem>>)
      %add3A_368 = arith.constant 6 : i32
      %add3A_369 = arith.addi %add3A_271, %add3A_368 : i32
      %dma_start3A_370 = arith.constant 300 : i32
      %dma_start3A_371 = arith.constant 0 : i32
      %dma_start3A_372 = tpu.memref_slice %arg7[%dma_start3A_370, %dma_start3A_371] : memref<400x64xf32, #tpu.memory_space<vmem>> -> memref<50x64xf32, #tpu.memory_space<vmem>>
      %dma_start3A_373 = arith.constant 0 : i32
      %dma_start3A_374 = arith.constant 0 : i32
      %dma_start3A_375 = tpu.memref_slice %arg4[%add3A_369, %dma_start3A_373, %dma_start3A_374] : memref<16384x56x128xf32, #tpu.memory_space<hbm>> -> memref<1x50x64xf32, #tpu.memory_space<hbm>>
      %dma_start3A_376 = tpu.memref_squeeze %dma_start3A_375 : memref<1x50x64xf32, #tpu.memory_space<hbm>> -> memref<50x64xf32, #tpu.memory_space<hbm>>
      %dma_start3A_377 = arith.constant 0 : i32
      %dma_start3A_378 = arith.constant 0 : i32
      %dma_start3A_379 = tpu.memref_slice %arg4[%add3A_369, %dma_start3A_377, %dma_start3A_378] : memref<16384x56x128xf32, #tpu.memory_space<hbm>> -> memref<1x50x64xf32, #tpu.memory_space<hbm>>
      %dma_start3A_380 = tpu.memref_squeeze %dma_start3A_379 : memref<1x50x64xf32, #tpu.memory_space<hbm>> -> memref<50x64xf32, #tpu.memory_space<hbm>>
      %dma_start3A_381 = arith.constant 300 : i32
      %dma_start3A_382 = arith.constant 0 : i32
      %dma_start3A_383 = tpu.memref_slice %arg7[%dma_start3A_381, %dma_start3A_382] : memref<400x64xf32, #tpu.memory_space<vmem>> -> memref<50x64xf32, #tpu.memory_space<vmem>>
      tpu.enqueue_dma source(%dma_start3A_383 : memref<50x64xf32, #tpu.memory_space<vmem>>) target(%dma_start3A_380 : memref<50x64xf32, #tpu.memory_space<hbm>>) target_semaphore(%arg10 : memref<!tpu.dma_semaphore, #tpu.memory_space<semaphore_mem>>)
      %add3A_384 = arith.constant 7 : i32
      %add3A_385 = arith.addi %add3A_271, %add3A_384 : i32
      %dma_start3A_386 = arith.constant 350 : i32
      %dma_start3A_387 = arith.constant 0 : i32
      %dma_start3A_388 = tpu.memref_slice %arg7[%dma_start3A_386, %dma_start3A_387] : memref<400x64xf32, #tpu.memory_space<vmem>> -> memref<50x64xf32, #tpu.memory_space<vmem>>
      %dma_start3A_389 = arith.constant 0 : i32
      %dma_start3A_390 = arith.constant 0 : i32
      %dma_start3A_391 = tpu.memref_slice %arg4[%add3A_385, %dma_start3A_389, %dma_start3A_390] : memref<16384x56x128xf32, #tpu.memory_space<hbm>> -> memref<1x50x64xf32, #tpu.memory_space<hbm>>
      %dma_start3A_392 = tpu.memref_squeeze %dma_start3A_391 : memref<1x50x64xf32, #tpu.memory_space<hbm>> -> memref<50x64xf32, #tpu.memory_space<hbm>>
      %dma_start3A_393 = arith.constant 0 : i32
      %dma_start3A_394 = arith.constant 0 : i32
      %dma_start3A_395 = tpu.memref_slice %arg4[%add3A_385, %dma_start3A_393, %dma_start3A_394] : memref<16384x56x128xf32, #tpu.memory_space<hbm>> -> memref<1x50x64xf32, #tpu.memory_space<hbm>>
      %dma_start3A_396 = tpu.memref_squeeze %dma_start3A_395 : memref<1x50x64xf32, #tpu.memory_space<hbm>> -> memref<50x64xf32, #tpu.memory_space<hbm>>
      %dma_start3A_397 = arith.constant 350 : i32
      %dma_start3A_398 = arith.constant 0 : i32
      %dma_start3A_399 = tpu.memref_slice %arg7[%dma_start3A_397, %dma_start3A_398] : memref<400x64xf32, #tpu.memory_space<vmem>> -> memref<50x64xf32, #tpu.memory_space<vmem>>
      tpu.enqueue_dma source(%dma_start3A_399 : memref<50x64xf32, #tpu.memory_space<vmem>>) target(%dma_start3A_396 : memref<50x64xf32, #tpu.memory_space<hbm>>) target_semaphore(%arg10 : memref<!tpu.dma_semaphore, #tpu.memory_space<semaphore_mem>>)
      %mul3A_400 = arith.constant 2 : i32
      %mul3A_401 = arith.muli %scan3A_251, %mul3A_400 : i32
      %add3A_402 = arith.constant 1 : i32
      %add3A_403 = arith.addi %mul3A_401, %add3A_402 : i32
      %gt3A_404 = arith.constant 0 : i32
      %gt3A_405 = arith.cmpi sgt, %scan3A_251, %gt3A_404 : i32
      %convert_element_type3A_406 = arith.extui %gt3A_405 : i1 to i32
      %cond3A_407 = arith.constant 0 : i32
      %cond3A_408 = arith.cmpi ne, %convert_element_type3A_406, %cond3A_407 : i32
      scf.if %cond3A_408 {
        %dma_wait3A_550 = arith.constant 0 : i32
        %dma_wait3A_551 = arith.constant 0 : i32
        %dma_wait3A_552 = arith.constant 0 : i32
        %dma_wait3A_553 = tpu.memref_slice %arg8[%dma_wait3A_551, %dma_wait3A_552] : memref<400x64xf32, #tpu.memory_space<vmem>> -> memref<50x64xf32, #tpu.memory_space<vmem>>
        %dma_wait3A_554 = arith.constant 0 : i32
        %dma_wait3A_555 = arith.constant 0 : i32
        %dma_wait3A_556 = tpu.memref_slice %arg4[%dma_wait3A_550, %dma_wait3A_554, %dma_wait3A_555] : memref<16384x56x128xf32, #tpu.memory_space<hbm>> -> memref<1x50x64xf32, #tpu.memory_space<hbm>>
        %dma_wait3A_557 = tpu.memref_squeeze %dma_wait3A_556 : memref<1x50x64xf32, #tpu.memory_space<hbm>> -> memref<50x64xf32, #tpu.memory_space<hbm>>
        %dma_wait3A_558 = arith.constant 0 : i32
        %dma_wait3A_559 = arith.constant 0 : i32
        %dma_wait3A_560 = tpu.memref_slice %arg4[%dma_wait3A_550, %dma_wait3A_558, %dma_wait3A_559] : memref<16384x56x128xf32, #tpu.memory_space<hbm>> -> memref<1x50x64xf32, #tpu.memory_space<hbm>>
        %dma_wait3A_561 = tpu.memref_squeeze %dma_wait3A_560 : memref<1x50x64xf32, #tpu.memory_space<hbm>> -> memref<50x64xf32, #tpu.memory_space<hbm>>
        %dma_wait3A_562 = arith.constant 0 : i32
        %dma_wait3A_563 = arith.constant 0 : i32
        %dma_wait3A_564 = tpu.memref_slice %arg8[%dma_wait3A_562, %dma_wait3A_563] : memref<400x64xf32, #tpu.memory_space<vmem>> -> memref<50x64xf32, #tpu.memory_space<vmem>>
        tpu.wait_dma2 semaphore(%arg11 : memref<!tpu.dma_semaphore, #tpu.memory_space<semaphore_mem>>) src(%dma_wait3A_564 : memref<50x64xf32, #tpu.memory_space<vmem>>) dst(%dma_wait3A_561 : memref<50x64xf32, #tpu.memory_space<hbm>>)
        %dma_wait3A_565 = arith.constant 0 : i32
        %dma_wait3A_566 = arith.constant 50 : i32
        %dma_wait3A_567 = arith.constant 0 : i32
        %dma_wait3A_568 = tpu.memref_slice %arg8[%dma_wait3A_566, %dma_wait3A_567] : memref<400x64xf32, #tpu.memory_space<vmem>> -> memref<50x64xf32, #tpu.memory_space<vmem>>
        %dma_wait3A_569 = arith.constant 0 : i32
        %dma_wait3A_570 = arith.constant 0 : i32
        %dma_wait3A_571 = tpu.memref_slice %arg4[%dma_wait3A_565, %dma_wait3A_569, %dma_wait3A_570] : memref<16384x56x128xf32, #tpu.memory_space<hbm>> -> memref<1x50x64xf32, #tpu.memory_space<hbm>>
        %dma_wait3A_572 = tpu.memref_squeeze %dma_wait3A_571 : memref<1x50x64xf32, #tpu.memory_space<hbm>> -> memref<50x64xf32, #tpu.memory_space<hbm>>
        %dma_wait3A_573 = arith.constant 0 : i32
        %dma_wait3A_574 = arith.constant 0 : i32
        %dma_wait3A_575 = tpu.memref_slice %arg4[%dma_wait3A_565, %dma_wait3A_573, %dma_wait3A_574] : memref<16384x56x128xf32, #tpu.memory_space<hbm>> -> memref<1x50x64xf32, #tpu.memory_space<hbm>>
        %dma_wait3A_576 = tpu.memref_squeeze %dma_wait3A_575 : memref<1x50x64xf32, #tpu.memory_space<hbm>> -> memref<50x64xf32, #tpu.memory_space<hbm>>
        %dma_wait3A_577 = arith.constant 50 : i32
        %dma_wait3A_578 = arith.constant 0 : i32
        %dma_wait3A_579 = tpu.memref_slice %arg8[%dma_wait3A_577, %dma_wait3A_578] : memref<400x64xf32, #tpu.memory_space<vmem>> -> memref<50x64xf32, #tpu.memory_space<vmem>>
        tpu.wait_dma2 semaphore(%arg11 : memref<!tpu.dma_semaphore, #tpu.memory_space<semaphore_mem>>) src(%dma_wait3A_579 : memref<50x64xf32, #tpu.memory_space<vmem>>) dst(%dma_wait3A_576 : memref<50x64xf32, #tpu.memory_space<hbm>>)
        %dma_wait3A_580 = arith.constant 0 : i32
        %dma_wait3A_581 = arith.constant 100 : i32
        %dma_wait3A_582 = arith.constant 0 : i32
        %dma_wait3A_583 = tpu.memref_slice %arg8[%dma_wait3A_581, %dma_wait3A_582] : memref<400x64xf32, #tpu.memory_space<vmem>> -> memref<50x64xf32, #tpu.memory_space<vmem>>
        %dma_wait3A_584 = arith.constant 0 : i32
        %dma_wait3A_585 = arith.constant 0 : i32
        %dma_wait3A_586 = tpu.memref_slice %arg4[%dma_wait3A_580, %dma_wait3A_584, %dma_wait3A_585] : memref<16384x56x128xf32, #tpu.memory_space<hbm>> -> memref<1x50x64xf32, #tpu.memory_space<hbm>>
        %dma_wait3A_587 = tpu.memref_squeeze %dma_wait3A_586 : memref<1x50x64xf32, #tpu.memory_space<hbm>> -> memref<50x64xf32, #tpu.memory_space<hbm>>
        %dma_wait3A_588 = arith.constant 0 : i32
        %dma_wait3A_589 = arith.constant 0 : i32
        %dma_wait3A_590 = tpu.memref_slice %arg4[%dma_wait3A_580, %dma_wait3A_588, %dma_wait3A_589] : memref<16384x56x128xf32, #tpu.memory_space<hbm>> -> memref<1x50x64xf32, #tpu.memory_space<hbm>>
        %dma_wait3A_591 = tpu.memref_squeeze %dma_wait3A_590 : memref<1x50x64xf32, #tpu.memory_space<hbm>> -> memref<50x64xf32, #tpu.memory_space<hbm>>
        %dma_wait3A_592 = arith.constant 100 : i32
        %dma_wait3A_593 = arith.constant 0 : i32
        %dma_wait3A_594 = tpu.memref_slice %arg8[%dma_wait3A_592, %dma_wait3A_593] : memref<400x64xf32, #tpu.memory_space<vmem>> -> memref<50x64xf32, #tpu.memory_space<vmem>>
        tpu.wait_dma2 semaphore(%arg11 : memref<!tpu.dma_semaphore, #tpu.memory_space<semaphore_mem>>) src(%dma_wait3A_594 : memref<50x64xf32, #tpu.memory_space<vmem>>) dst(%dma_wait3A_591 : memref<50x64xf32, #tpu.memory_space<hbm>>)
        %dma_wait3A_595 = arith.constant 0 : i32
        %dma_wait3A_596 = arith.constant 150 : i32
        %dma_wait3A_597 = arith.constant 0 : i32
        %dma_wait3A_598 = tpu.memref_slice %arg8[%dma_wait3A_596, %dma_wait3A_597] : memref<400x64xf32, #tpu.memory_space<vmem>> -> memref<50x64xf32, #tpu.memory_space<vmem>>
        %dma_wait3A_599 = arith.constant 0 : i32
        %dma_wait3A_600 = arith.constant 0 : i32
        %dma_wait3A_601 = tpu.memref_slice %arg4[%dma_wait3A_595, %dma_wait3A_599, %dma_wait3A_600] : memref<16384x56x128xf32, #tpu.memory_space<hbm>> -> memref<1x50x64xf32, #tpu.memory_space<hbm>>
        %dma_wait3A_602 = tpu.memref_squeeze %dma_wait3A_601 : memref<1x50x64xf32, #tpu.memory_space<hbm>> -> memref<50x64xf32, #tpu.memory_space<hbm>>
        %dma_wait3A_603 = arith.constant 0 : i32
        %dma_wait3A_604 = arith.constant 0 : i32
        %dma_wait3A_605 = tpu.memref_slice %arg4[%dma_wait3A_595, %dma_wait3A_603, %dma_wait3A_604] : memref<16384x56x128xf32, #tpu.memory_space<hbm>> -> memref<1x50x64xf32, #tpu.memory_space<hbm>>
        %dma_wait3A_606 = tpu.memref_squeeze %dma_wait3A_605 : memref<1x50x64xf32, #tpu.memory_space<hbm>> -> memref<50x64xf32, #tpu.memory_space<hbm>>
        %dma_wait3A_607 = arith.constant 150 : i32
        %dma_wait3A_608 = arith.constant 0 : i32
        %dma_wait3A_609 = tpu.memref_slice %arg8[%dma_wait3A_607, %dma_wait3A_608] : memref<400x64xf32, #tpu.memory_space<vmem>> -> memref<50x64xf32, #tpu.memory_space<vmem>>
        tpu.wait_dma2 semaphore(%arg11 : memref<!tpu.dma_semaphore, #tpu.memory_space<semaphore_mem>>) src(%dma_wait3A_609 : memref<50x64xf32, #tpu.memory_space<vmem>>) dst(%dma_wait3A_606 : memref<50x64xf32, #tpu.memory_space<hbm>>)
        %dma_wait3A_610 = arith.constant 0 : i32
        %dma_wait3A_611 = arith.constant 200 : i32
        %dma_wait3A_612 = arith.constant 0 : i32
        %dma_wait3A_613 = tpu.memref_slice %arg8[%dma_wait3A_611, %dma_wait3A_612] : memref<400x64xf32, #tpu.memory_space<vmem>> -> memref<50x64xf32, #tpu.memory_space<vmem>>
        %dma_wait3A_614 = arith.constant 0 : i32
        %dma_wait3A_615 = arith.constant 0 : i32
        %dma_wait3A_616 = tpu.memref_slice %arg4[%dma_wait3A_610, %dma_wait3A_614, %dma_wait3A_615] : memref<16384x56x128xf32, #tpu.memory_space<hbm>> -> memref<1x50x64xf32, #tpu.memory_space<hbm>>
        %dma_wait3A_617 = tpu.memref_squeeze %dma_wait3A_616 : memref<1x50x64xf32, #tpu.memory_space<hbm>> -> memref<50x64xf32, #tpu.memory_space<hbm>>
        %dma_wait3A_618 = arith.constant 0 : i32
        %dma_wait3A_619 = arith.constant 0 : i32
        %dma_wait3A_620 = tpu.memref_slice %arg4[%dma_wait3A_610, %dma_wait3A_618, %dma_wait3A_619] : memref<16384x56x128xf32, #tpu.memory_space<hbm>> -> memref<1x50x64xf32, #tpu.memory_space<hbm>>
        %dma_wait3A_621 = tpu.memref_squeeze %dma_wait3A_620 : memref<1x50x64xf32, #tpu.memory_space<hbm>> -> memref<50x64xf32, #tpu.memory_space<hbm>>
        %dma_wait3A_622 = arith.constant 200 : i32
        %dma_wait3A_623 = arith.constant 0 : i32
        %dma_wait3A_624 = tpu.memref_slice %arg8[%dma_wait3A_622, %dma_wait3A_623] : memref<400x64xf32, #tpu.memory_space<vmem>> -> memref<50x64xf32, #tpu.memory_space<vmem>>
        tpu.wait_dma2 semaphore(%arg11 : memref<!tpu.dma_semaphore, #tpu.memory_space<semaphore_mem>>) src(%dma_wait3A_624 : memref<50x64xf32, #tpu.memory_space<vmem>>) dst(%dma_wait3A_621 : memref<50x64xf32, #tpu.memory_space<hbm>>)
        %dma_wait3A_625 = arith.constant 0 : i32
        %dma_wait3A_626 = arith.constant 250 : i32
        %dma_wait3A_627 = arith.constant 0 : i32
        %dma_wait3A_628 = tpu.memref_slice %arg8[%dma_wait3A_626, %dma_wait3A_627] : memref<400x64xf32, #tpu.memory_space<vmem>> -> memref<50x64xf32, #tpu.memory_space<vmem>>
        %dma_wait3A_629 = arith.constant 0 : i32
        %dma_wait3A_630 = arith.constant 0 : i32
        %dma_wait3A_631 = tpu.memref_slice %arg4[%dma_wait3A_625, %dma_wait3A_629, %dma_wait3A_630] : memref<16384x56x128xf32, #tpu.memory_space<hbm>> -> memref<1x50x64xf32, #tpu.memory_space<hbm>>
        %dma_wait3A_632 = tpu.memref_squeeze %dma_wait3A_631 : memref<1x50x64xf32, #tpu.memory_space<hbm>> -> memref<50x64xf32, #tpu.memory_space<hbm>>
        %dma_wait3A_633 = arith.constant 0 : i32
        %dma_wait3A_634 = arith.constant 0 : i32
        %dma_wait3A_635 = tpu.memref_slice %arg4[%dma_wait3A_625, %dma_wait3A_633, %dma_wait3A_634] : memref<16384x56x128xf32, #tpu.memory_space<hbm>> -> memref<1x50x64xf32, #tpu.memory_space<hbm>>
        %dma_wait3A_636 = tpu.memref_squeeze %dma_wait3A_635 : memref<1x50x64xf32, #tpu.memory_space<hbm>> -> memref<50x64xf32, #tpu.memory_space<hbm>>
        %dma_wait3A_637 = arith.constant 250 : i32
        %dma_wait3A_638 = arith.constant 0 : i32
        %dma_wait3A_639 = tpu.memref_slice %arg8[%dma_wait3A_637, %dma_wait3A_638] : memref<400x64xf32, #tpu.memory_space<vmem>> -> memref<50x64xf32, #tpu.memory_space<vmem>>
        tpu.wait_dma2 semaphore(%arg11 : memref<!tpu.dma_semaphore, #tpu.memory_space<semaphore_mem>>) src(%dma_wait3A_639 : memref<50x64xf32, #tpu.memory_space<vmem>>) dst(%dma_wait3A_636 : memref<50x64xf32, #tpu.memory_space<hbm>>)
        %dma_wait3A_640 = arith.constant 0 : i32
        %dma_wait3A_641 = arith.constant 300 : i32
        %dma_wait3A_642 = arith.constant 0 : i32
        %dma_wait3A_643 = tpu.memref_slice %arg8[%dma_wait3A_641, %dma_wait3A_642] : memref<400x64xf32, #tpu.memory_space<vmem>> -> memref<50x64xf32, #tpu.memory_space<vmem>>
        %dma_wait3A_644 = arith.constant 0 : i32
        %dma_wait3A_645 = arith.constant 0 : i32
        %dma_wait3A_646 = tpu.memref_slice %arg4[%dma_wait3A_640, %dma_wait3A_644, %dma_wait3A_645] : memref<16384x56x128xf32, #tpu.memory_space<hbm>> -> memref<1x50x64xf32, #tpu.memory_space<hbm>>
        %dma_wait3A_647 = tpu.memref_squeeze %dma_wait3A_646 : memref<1x50x64xf32, #tpu.memory_space<hbm>> -> memref<50x64xf32, #tpu.memory_space<hbm>>
        %dma_wait3A_648 = arith.constant 0 : i32
        %dma_wait3A_649 = arith.constant 0 : i32
        %dma_wait3A_650 = tpu.memref_slice %arg4[%dma_wait3A_640, %dma_wait3A_648, %dma_wait3A_649] : memref<16384x56x128xf32, #tpu.memory_space<hbm>> -> memref<1x50x64xf32, #tpu.memory_space<hbm>>
        %dma_wait3A_651 = tpu.memref_squeeze %dma_wait3A_650 : memref<1x50x64xf32, #tpu.memory_space<hbm>> -> memref<50x64xf32, #tpu.memory_space<hbm>>
        %dma_wait3A_652 = arith.constant 300 : i32
        %dma_wait3A_653 = arith.constant 0 : i32
        %dma_wait3A_654 = tpu.memref_slice %arg8[%dma_wait3A_652, %dma_wait3A_653] : memref<400x64xf32, #tpu.memory_space<vmem>> -> memref<50x64xf32, #tpu.memory_space<vmem>>
        tpu.wait_dma2 semaphore(%arg11 : memref<!tpu.dma_semaphore, #tpu.memory_space<semaphore_mem>>) src(%dma_wait3A_654 : memref<50x64xf32, #tpu.memory_space<vmem>>) dst(%dma_wait3A_651 : memref<50x64xf32, #tpu.memory_space<hbm>>)
        %dma_wait3A_655 = arith.constant 0 : i32
        %dma_wait3A_656 = arith.constant 350 : i32
        %dma_wait3A_657 = arith.constant 0 : i32
        %dma_wait3A_658 = tpu.memref_slice %arg8[%dma_wait3A_656, %dma_wait3A_657] : memref<400x64xf32, #tpu.memory_space<vmem>> -> memref<50x64xf32, #tpu.memory_space<vmem>>
        %dma_wait3A_659 = arith.constant 0 : i32
        %dma_wait3A_660 = arith.constant 0 : i32
        %dma_wait3A_661 = tpu.memref_slice %arg4[%dma_wait3A_655, %dma_wait3A_659, %dma_wait3A_660] : memref<16384x56x128xf32, #tpu.memory_space<hbm>> -> memref<1x50x64xf32, #tpu.memory_space<hbm>>
        %dma_wait3A_662 = tpu.memref_squeeze %dma_wait3A_661 : memref<1x50x64xf32, #tpu.memory_space<hbm>> -> memref<50x64xf32, #tpu.memory_space<hbm>>
        %dma_wait3A_663 = arith.constant 0 : i32
        %dma_wait3A_664 = arith.constant 0 : i32
        %dma_wait3A_665 = tpu.memref_slice %arg4[%dma_wait3A_655, %dma_wait3A_663, %dma_wait3A_664] : memref<16384x56x128xf32, #tpu.memory_space<hbm>> -> memref<1x50x64xf32, #tpu.memory_space<hbm>>
        %dma_wait3A_666 = tpu.memref_squeeze %dma_wait3A_665 : memref<1x50x64xf32, #tpu.memory_space<hbm>> -> memref<50x64xf32, #tpu.memory_space<hbm>>
        %dma_wait3A_667 = arith.constant 350 : i32
        %dma_wait3A_668 = arith.constant 0 : i32
        %dma_wait3A_669 = tpu.memref_slice %arg8[%dma_wait3A_667, %dma_wait3A_668] : memref<400x64xf32, #tpu.memory_space<vmem>> -> memref<50x64xf32, #tpu.memory_space<vmem>>
        tpu.wait_dma2 semaphore(%arg11 : memref<!tpu.dma_semaphore, #tpu.memory_space<semaphore_mem>>) src(%dma_wait3A_669 : memref<50x64xf32, #tpu.memory_space<vmem>>) dst(%dma_wait3A_666 : memref<50x64xf32, #tpu.memory_space<hbm>>)
      } else {
      }
      %mul3A_409 = arith.constant 400 : i32
      %mul3A_410 = arith.muli %add3A_403, %mul3A_409 : i32
      %dma_start3A_411 = tpu.memref_slice %arg5[%mul3A_410] : memref<25600xi32, #tpu.memory_space<vmem>> -> memref<400xi32, #tpu.memory_space<vmem>>
      %dma_start3A_412 = arith.constant 0 : i32
      %dma_start3A_413 = arith.constant 0 : i32
      %dma_start3A_414 = tpu.memref_slice %arg6[%dma_start3A_412, %dma_start3A_413] : memref<1000x64xf32, #tpu.memory_space<vmem_shared>> -> memref<1000x64xf32, #tpu.memory_space<vmem_shared>>
      tpu.enqueue_indirect_dma source(%dma_start3A_414 : memref<1000x64xf32, #tpu.memory_space<vmem_shared>>) target(%arg8 : memref<400x64xf32, #tpu.memory_space<vmem>>) offsets(%dma_start3A_411 : memref<400xi32, #tpu.memory_space<vmem>>) semaphore(%arg9 : memref<!tpu.dma_semaphore, #tpu.memory_space<semaphore_mem>>)
      %dma_wait3A_415 = tpu.memref_slice %arg5[%mul3A_410] : memref<25600xi32, #tpu.memory_space<vmem>> -> memref<400xi32, #tpu.memory_space<vmem>>
      %dma_wait3A_416 = arith.constant 0 : i32
      %dma_wait3A_417 = arith.constant 0 : i32
      %dma_wait3A_418 = tpu.memref_slice %arg6[%dma_wait3A_416, %dma_wait3A_417] : memref<1000x64xf32, #tpu.memory_space<vmem_shared>> -> memref<1000x64xf32, #tpu.memory_space<vmem_shared>>
      tpu.wait_indirect_dma semaphore(%arg9 : memref<!tpu.dma_semaphore, #tpu.memory_space<semaphore_mem>>) src(%dma_wait3A_418 : memref<1000x64xf32, #tpu.memory_space<vmem_shared>>) dst(%arg8 : memref<400x64xf32, #tpu.memory_space<vmem>>)
      %mul3A_419 = arith.constant 8 : i32
      %mul3A_420 = arith.muli %add3A_403, %mul3A_419 : i32
      %add3A_421 = arith.addi %mul3A_4, %mul3A_420 : i32
      %add3A_422 = arith.constant 0 : i32
      %add3A_423 = arith.addi %add3A_421, %add3A_422 : i32
      %dma_start3A_424 = arith.constant 0 : i32
      %dma_start3A_425 = arith.constant 0 : i32
      %dma_start3A_426 = tpu.memref_slice %arg8[%dma_start3A_424, %dma_start3A_425] : memref<400x64xf32, #tpu.memory_space<vmem>> -> memref<50x64xf32, #tpu.memory_space<vmem>>
      %dma_start3A_427 = arith.constant 0 : i32
      %dma_start3A_428 = arith.constant 0 : i32
      %dma_start3A_429 = tpu.memref_slice %arg4[%add3A_423, %dma_start3A_427, %dma_start3A_428] : memref<16384x56x128xf32, #tpu.memory_space<hbm>> -> memref<1x50x64xf32, #tpu.memory_space<hbm>>
      %dma_start3A_430 = tpu.memref_squeeze %dma_start3A_429 : memref<1x50x64xf32, #tpu.memory_space<hbm>> -> memref<50x64xf32, #tpu.memory_space<hbm>>
      %dma_start3A_431 = arith.constant 0 : i32
      %dma_start3A_432 = arith.constant 0 : i32
      %dma_start3A_433 = tpu.memref_slice %arg4[%add3A_423, %dma_start3A_431, %dma_start3A_432] : memref<16384x56x128xf32, #tpu.memory_space<hbm>> -> memref<1x50x64xf32, #tpu.memory_space<hbm>>
      %dma_start3A_434 = tpu.memref_squeeze %dma_start3A_433 : memref<1x50x64xf32, #tpu.memory_space<hbm>> -> memref<50x64xf32, #tpu.memory_space<hbm>>
      %dma_start3A_435 = arith.constant 0 : i32
      %dma_start3A_436 = arith.constant 0 : i32
      %dma_start3A_437 = tpu.memref_slice %arg8[%dma_start3A_435, %dma_start3A_436] : memref<400x64xf32, #tpu.memory_space<vmem>> -> memref<50x64xf32, #tpu.memory_space<vmem>>
      tpu.enqueue_dma source(%dma_start3A_437 : memref<50x64xf32, #tpu.memory_space<vmem>>) target(%dma_start3A_434 : memref<50x64xf32, #tpu.memory_space<hbm>>) target_semaphore(%arg11 : memref<!tpu.dma_semaphore, #tpu.memory_space<semaphore_mem>>)
      %add3A_438 = arith.constant 1 : i32
      %add3A_439 = arith.addi %add3A_421, %add3A_438 : i32
      %dma_start3A_440 = arith.constant 50 : i32
      %dma_start3A_441 = arith.constant 0 : i32
      %dma_start3A_442 = tpu.memref_slice %arg8[%dma_start3A_440, %dma_start3A_441] : memref<400x64xf32, #tpu.memory_space<vmem>> -> memref<50x64xf32, #tpu.memory_space<vmem>>
      %dma_start3A_443 = arith.constant 0 : i32
      %dma_start3A_444 = arith.constant 0 : i32
      %dma_start3A_445 = tpu.memref_slice %arg4[%add3A_439, %dma_start3A_443, %dma_start3A_444] : memref<16384x56x128xf32, #tpu.memory_space<hbm>> -> memref<1x50x64xf32, #tpu.memory_space<hbm>>
      %dma_start3A_446 = tpu.memref_squeeze %dma_start3A_445 : memref<1x50x64xf32, #tpu.memory_space<hbm>> -> memref<50x64xf32, #tpu.memory_space<hbm>>
      %dma_start3A_447 = arith.constant 0 : i32
      %dma_start3A_448 = arith.constant 0 : i32
      %dma_start3A_449 = tpu.memref_slice %arg4[%add3A_439, %dma_start3A_447, %dma_start3A_448] : memref<16384x56x128xf32, #tpu.memory_space<hbm>> -> memref<1x50x64xf32, #tpu.memory_space<hbm>>
      %dma_start3A_450 = tpu.memref_squeeze %dma_start3A_449 : memref<1x50x64xf32, #tpu.memory_space<hbm>> -> memref<50x64xf32, #tpu.memory_space<hbm>>
      %dma_start3A_451 = arith.constant 50 : i32
      %dma_start3A_452 = arith.constant 0 : i32
      %dma_start3A_453 = tpu.memref_slice %arg8[%dma_start3A_451, %dma_start3A_452] : memref<400x64xf32, #tpu.memory_space<vmem>> -> memref<50x64xf32, #tpu.memory_space<vmem>>
      tpu.enqueue_dma source(%dma_start3A_453 : memref<50x64xf32, #tpu.memory_space<vmem>>) target(%dma_start3A_450 : memref<50x64xf32, #tpu.memory_space<hbm>>) target_semaphore(%arg11 : memref<!tpu.dma_semaphore, #tpu.memory_space<semaphore_mem>>)
      %add3A_454 = arith.constant 2 : i32
      %add3A_455 = arith.addi %add3A_421, %add3A_454 : i32
      %dma_start3A_456 = arith.constant 100 : i32
      %dma_start3A_457 = arith.constant 0 : i32
      %dma_start3A_458 = tpu.memref_slice %arg8[%dma_start3A_456, %dma_start3A_457] : memref<400x64xf32, #tpu.memory_space<vmem>> -> memref<50x64xf32, #tpu.memory_space<vmem>>
      %dma_start3A_459 = arith.constant 0 : i32
      %dma_start3A_460 = arith.constant 0 : i32
      %dma_start3A_461 = tpu.memref_slice %arg4[%add3A_455, %dma_start3A_459, %dma_start3A_460] : memref<16384x56x128xf32, #tpu.memory_space<hbm>> -> memref<1x50x64xf32, #tpu.memory_space<hbm>>
      %dma_start3A_462 = tpu.memref_squeeze %dma_start3A_461 : memref<1x50x64xf32, #tpu.memory_space<hbm>> -> memref<50x64xf32, #tpu.memory_space<hbm>>
      %dma_start3A_463 = arith.constant 0 : i32
      %dma_start3A_464 = arith.constant 0 : i32
      %dma_start3A_465 = tpu.memref_slice %arg4[%add3A_455, %dma_start3A_463, %dma_start3A_464] : memref<16384x56x128xf32, #tpu.memory_space<hbm>> -> memref<1x50x64xf32, #tpu.memory_space<hbm>>
      %dma_start3A_466 = tpu.memref_squeeze %dma_start3A_465 : memref<1x50x64xf32, #tpu.memory_space<hbm>> -> memref<50x64xf32, #tpu.memory_space<hbm>>
      %dma_start3A_467 = arith.constant 100 : i32
      %dma_start3A_468 = arith.constant 0 : i32
      %dma_start3A_469 = tpu.memref_slice %arg8[%dma_start3A_467, %dma_start3A_468] : memref<400x64xf32, #tpu.memory_space<vmem>> -> memref<50x64xf32, #tpu.memory_space<vmem>>
      tpu.enqueue_dma source(%dma_start3A_469 : memref<50x64xf32, #tpu.memory_space<vmem>>) target(%dma_start3A_466 : memref<50x64xf32, #tpu.memory_space<hbm>>) target_semaphore(%arg11 : memref<!tpu.dma_semaphore, #tpu.memory_space<semaphore_mem>>)
      %add3A_470 = arith.constant 3 : i32
      %add3A_471 = arith.addi %add3A_421, %add3A_470 : i32
      %dma_start3A_472 = arith.constant 150 : i32
      %dma_start3A_473 = arith.constant 0 : i32
      %dma_start3A_474 = tpu.memref_slice %arg8[%dma_start3A_472, %dma_start3A_473] : memref<400x64xf32, #tpu.memory_space<vmem>> -> memref<50x64xf32, #tpu.memory_space<vmem>>
      %dma_start3A_475 = arith.constant 0 : i32
      %dma_start3A_476 = arith.constant 0 : i32
      %dma_start3A_477 = tpu.memref_slice %arg4[%add3A_471, %dma_start3A_475, %dma_start3A_476] : memref<16384x56x128xf32, #tpu.memory_space<hbm>> -> memref<1x50x64xf32, #tpu.memory_space<hbm>>
      %dma_start3A_478 = tpu.memref_squeeze %dma_start3A_477 : memref<1x50x64xf32, #tpu.memory_space<hbm>> -> memref<50x64xf32, #tpu.memory_space<hbm>>
      %dma_start3A_479 = arith.constant 0 : i32
      %dma_start3A_480 = arith.constant 0 : i32
      %dma_start3A_481 = tpu.memref_slice %arg4[%add3A_471, %dma_start3A_479, %dma_start3A_480] : memref<16384x56x128xf32, #tpu.memory_space<hbm>> -> memref<1x50x64xf32, #tpu.memory_space<hbm>>
      %dma_start3A_482 = tpu.memref_squeeze %dma_start3A_481 : memref<1x50x64xf32, #tpu.memory_space<hbm>> -> memref<50x64xf32, #tpu.memory_space<hbm>>
      %dma_start3A_483 = arith.constant 150 : i32
      %dma_start3A_484 = arith.constant 0 : i32
      %dma_start3A_485 = tpu.memref_slice %arg8[%dma_start3A_483, %dma_start3A_484] : memref<400x64xf32, #tpu.memory_space<vmem>> -> memref<50x64xf32, #tpu.memory_space<vmem>>
      tpu.enqueue_dma source(%dma_start3A_485 : memref<50x64xf32, #tpu.memory_space<vmem>>) target(%dma_start3A_482 : memref<50x64xf32, #tpu.memory_space<hbm>>) target_semaphore(%arg11 : memref<!tpu.dma_semaphore, #tpu.memory_space<semaphore_mem>>)
      %add3A_486 = arith.constant 4 : i32
      %add3A_487 = arith.addi %add3A_421, %add3A_486 : i32
      %dma_start3A_488 = arith.constant 200 : i32
      %dma_start3A_489 = arith.constant 0 : i32
      %dma_start3A_490 = tpu.memref_slice %arg8[%dma_start3A_488, %dma_start3A_489] : memref<400x64xf32, #tpu.memory_space<vmem>> -> memref<50x64xf32, #tpu.memory_space<vmem>>
      %dma_start3A_491 = arith.constant 0 : i32
      %dma_start3A_492 = arith.constant 0 : i32
      %dma_start3A_493 = tpu.memref_slice %arg4[%add3A_487, %dma_start3A_491, %dma_start3A_492] : memref<16384x56x128xf32, #tpu.memory_space<hbm>> -> memref<1x50x64xf32, #tpu.memory_space<hbm>>
      %dma_start3A_494 = tpu.memref_squeeze %dma_start3A_493 : memref<1x50x64xf32, #tpu.memory_space<hbm>> -> memref<50x64xf32, #tpu.memory_space<hbm>>
      %dma_start3A_495 = arith.constant 0 : i32
      %dma_start3A_496 = arith.constant 0 : i32
      %dma_start3A_497 = tpu.memref_slice %arg4[%add3A_487, %dma_start3A_495, %dma_start3A_496] : memref<16384x56x128xf32, #tpu.memory_space<hbm>> -> memref<1x50x64xf32, #tpu.memory_space<hbm>>
      %dma_start3A_498 = tpu.memref_squeeze %dma_start3A_497 : memref<1x50x64xf32, #tpu.memory_space<hbm>> -> memref<50x64xf32, #tpu.memory_space<hbm>>
      %dma_start3A_499 = arith.constant 200 : i32
      %dma_start3A_500 = arith.constant 0 : i32
      %dma_start3A_501 = tpu.memref_slice %arg8[%dma_start3A_499, %dma_start3A_500] : memref<400x64xf32, #tpu.memory_space<vmem>> -> memref<50x64xf32, #tpu.memory_space<vmem>>
      tpu.enqueue_dma source(%dma_start3A_501 : memref<50x64xf32, #tpu.memory_space<vmem>>) target(%dma_start3A_498 : memref<50x64xf32, #tpu.memory_space<hbm>>) target_semaphore(%arg11 : memref<!tpu.dma_semaphore, #tpu.memory_space<semaphore_mem>>)
      %add3A_502 = arith.constant 5 : i32
      %add3A_503 = arith.addi %add3A_421, %add3A_502 : i32
      %dma_start3A_504 = arith.constant 250 : i32
      %dma_start3A_505 = arith.constant 0 : i32
      %dma_start3A_506 = tpu.memref_slice %arg8[%dma_start3A_504, %dma_start3A_505] : memref<400x64xf32, #tpu.memory_space<vmem>> -> memref<50x64xf32, #tpu.memory_space<vmem>>
      %dma_start3A_507 = arith.constant 0 : i32
      %dma_start3A_508 = arith.constant 0 : i32
      %dma_start3A_509 = tpu.memref_slice %arg4[%add3A_503, %dma_start3A_507, %dma_start3A_508] : memref<16384x56x128xf32, #tpu.memory_space<hbm>> -> memref<1x50x64xf32, #tpu.memory_space<hbm>>
      %dma_start3A_510 = tpu.memref_squeeze %dma_start3A_509 : memref<1x50x64xf32, #tpu.memory_space<hbm>> -> memref<50x64xf32, #tpu.memory_space<hbm>>
      %dma_start3A_511 = arith.constant 0 : i32
      %dma_start3A_512 = arith.constant 0 : i32
      %dma_start3A_513 = tpu.memref_slice %arg4[%add3A_503, %dma_start3A_511, %dma_start3A_512] : memref<16384x56x128xf32, #tpu.memory_space<hbm>> -> memref<1x50x64xf32, #tpu.memory_space<hbm>>
      %dma_start3A_514 = tpu.memref_squeeze %dma_start3A_513 : memref<1x50x64xf32, #tpu.memory_space<hbm>> -> memref<50x64xf32, #tpu.memory_space<hbm>>
      %dma_start3A_515 = arith.constant 250 : i32
      %dma_start3A_516 = arith.constant 0 : i32
      %dma_start3A_517 = tpu.memref_slice %arg8[%dma_start3A_515, %dma_start3A_516] : memref<400x64xf32, #tpu.memory_space<vmem>> -> memref<50x64xf32, #tpu.memory_space<vmem>>
      tpu.enqueue_dma source(%dma_start3A_517 : memref<50x64xf32, #tpu.memory_space<vmem>>) target(%dma_start3A_514 : memref<50x64xf32, #tpu.memory_space<hbm>>) target_semaphore(%arg11 : memref<!tpu.dma_semaphore, #tpu.memory_space<semaphore_mem>>)
      %add3A_518 = arith.constant 6 : i32
      %add3A_519 = arith.addi %add3A_421, %add3A_518 : i32
      %dma_start3A_520 = arith.constant 300 : i32
      %dma_start3A_521 = arith.constant 0 : i32
      %dma_start3A_522 = tpu.memref_slice %arg8[%dma_start3A_520, %dma_start3A_521] : memref<400x64xf32, #tpu.memory_space<vmem>> -> memref<50x64xf32, #tpu.memory_space<vmem>>
      %dma_start3A_523 = arith.constant 0 : i32
      %dma_start3A_524 = arith.constant 0 : i32
      %dma_start3A_525 = tpu.memref_slice %arg4[%add3A_519, %dma_start3A_523, %dma_start3A_524] : memref<16384x56x128xf32, #tpu.memory_space<hbm>> -> memref<1x50x64xf32, #tpu.memory_space<hbm>>
      %dma_start3A_526 = tpu.memref_squeeze %dma_start3A_525 : memref<1x50x64xf32, #tpu.memory_space<hbm>> -> memref<50x64xf32, #tpu.memory_space<hbm>>
      %dma_start3A_527 = arith.constant 0 : i32
      %dma_start3A_528 = arith.constant 0 : i32
      %dma_start3A_529 = tpu.memref_slice %arg4[%add3A_519, %dma_start3A_527, %dma_start3A_528] : memref<16384x56x128xf32, #tpu.memory_space<hbm>> -> memref<1x50x64xf32, #tpu.memory_space<hbm>>
      %dma_start3A_530 = tpu.memref_squeeze %dma_start3A_529 : memref<1x50x64xf32, #tpu.memory_space<hbm>> -> memref<50x64xf32, #tpu.memory_space<hbm>>
      %dma_start3A_531 = arith.constant 300 : i32
      %dma_start3A_532 = arith.constant 0 : i32
      %dma_start3A_533 = tpu.memref_slice %arg8[%dma_start3A_531, %dma_start3A_532] : memref<400x64xf32, #tpu.memory_space<vmem>> -> memref<50x64xf32, #tpu.memory_space<vmem>>
      tpu.enqueue_dma source(%dma_start3A_533 : memref<50x64xf32, #tpu.memory_space<vmem>>) target(%dma_start3A_530 : memref<50x64xf32, #tpu.memory_space<hbm>>) target_semaphore(%arg11 : memref<!tpu.dma_semaphore, #tpu.memory_space<semaphore_mem>>)
      %add3A_534 = arith.constant 7 : i32
      %add3A_535 = arith.addi %add3A_421, %add3A_534 : i32
      %dma_start3A_536 = arith.constant 350 : i32
      %dma_start3A_537 = arith.constant 0 : i32
      %dma_start3A_538 = tpu.memref_slice %arg8[%dma_start3A_536, %dma_start3A_537] : memref<400x64xf32, #tpu.memory_space<vmem>> -> memref<50x64xf32, #tpu.memory_space<vmem>>
      %dma_start3A_539 = arith.constant 0 : i32
      %dma_start3A_540 = arith.constant 0 : i32
      %dma_start3A_541 = tpu.memref_slice %arg4[%add3A_535, %dma_start3A_539, %dma_start3A_540] : memref<16384x56x128xf32, #tpu.memory_space<hbm>> -> memref<1x50x64xf32, #tpu.memory_space<hbm>>
      %dma_start3A_542 = tpu.memref_squeeze %dma_start3A_541 : memref<1x50x64xf32, #tpu.memory_space<hbm>> -> memref<50x64xf32, #tpu.memory_space<hbm>>
      %dma_start3A_543 = arith.constant 0 : i32
      %dma_start3A_544 = arith.constant 0 : i32
      %dma_start3A_545 = tpu.memref_slice %arg4[%add3A_535, %dma_start3A_543, %dma_start3A_544] : memref<16384x56x128xf32, #tpu.memory_space<hbm>> -> memref<1x50x64xf32, #tpu.memory_space<hbm>>
      %dma_start3A_546 = tpu.memref_squeeze %dma_start3A_545 : memref<1x50x64xf32, #tpu.memory_space<hbm>> -> memref<50x64xf32, #tpu.memory_space<hbm>>
      %dma_start3A_547 = arith.constant 350 : i32
      %dma_start3A_548 = arith.constant 0 : i32
      %dma_start3A_549 = tpu.memref_slice %arg8[%dma_start3A_547, %dma_start3A_548] : memref<400x64xf32, #tpu.memory_space<vmem>> -> memref<50x64xf32, #tpu.memory_space<vmem>>
      tpu.enqueue_dma source(%dma_start3A_549 : memref<50x64xf32, #tpu.memory_space<vmem>>) target(%dma_start3A_546 : memref<50x64xf32, #tpu.memory_space<hbm>>) target_semaphore(%arg11 : memref<!tpu.dma_semaphore, #tpu.memory_space<semaphore_mem>>)
    }
    %scan3A_11 = arith.constant 32 : i32
    %dma_wait3A = arith.constant 0 : i32
    %dma_wait3A_12 = arith.constant 0 : i32
    %dma_wait3A_13 = arith.constant 0 : i32
    %dma_wait3A_14 = tpu.memref_slice %arg7[%dma_wait3A_12, %dma_wait3A_13] : memref<400x64xf32, #tpu.memory_space<vmem>> -> memref<50x64xf32, #tpu.memory_space<vmem>>
    %dma_wait3A_15 = arith.constant 0 : i32
    %dma_wait3A_16 = arith.constant 0 : i32
    %dma_wait3A_17 = tpu.memref_slice %arg4[%dma_wait3A, %dma_wait3A_15, %dma_wait3A_16] : memref<16384x56x128xf32, #tpu.memory_space<hbm>> -> memref<1x50x64xf32, #tpu.memory_space<hbm>>
    %dma_wait3A_18 = tpu.memref_squeeze %dma_wait3A_17 : memref<1x50x64xf32, #tpu.memory_space<hbm>> -> memref<50x64xf32, #tpu.memory_space<hbm>>
    %dma_wait3A_19 = arith.constant 0 : i32
    %dma_wait3A_20 = arith.constant 0 : i32
    %dma_wait3A_21 = tpu.memref_slice %arg4[%dma_wait3A, %dma_wait3A_19, %dma_wait3A_20] : memref<16384x56x128xf32, #tpu.memory_space<hbm>> -> memref<1x50x64xf32, #tpu.memory_space<hbm>>
    %dma_wait3A_22 = tpu.memref_squeeze %dma_wait3A_21 : memref<1x50x64xf32, #tpu.memory_space<hbm>> -> memref<50x64xf32, #tpu.memory_space<hbm>>
    %dma_wait3A_23 = arith.constant 0 : i32
    %dma_wait3A_24 = arith.constant 0 : i32
    %dma_wait3A_25 = tpu.memref_slice %arg7[%dma_wait3A_23, %dma_wait3A_24] : memref<400x64xf32, #tpu.memory_space<vmem>> -> memref<50x64xf32, #tpu.memory_space<vmem>>
    tpu.wait_dma2 semaphore(%arg10 : memref<!tpu.dma_semaphore, #tpu.memory_space<semaphore_mem>>) src(%dma_wait3A_25 : memref<50x64xf32, #tpu.memory_space<vmem>>) dst(%dma_wait3A_22 : memref<50x64xf32, #tpu.memory_space<hbm>>)
    %dma_wait3A_26 = arith.constant 0 : i32
    %dma_wait3A_27 = arith.constant 50 : i32
    %dma_wait3A_28 = arith.constant 0 : i32
    %dma_wait3A_29 = tpu.memref_slice %arg7[%dma_wait3A_27, %dma_wait3A_28] : memref<400x64xf32, #tpu.memory_space<vmem>> -> memref<50x64xf32, #tpu.memory_space<vmem>>
    %dma_wait3A_30 = arith.constant 0 : i32
    %dma_wait3A_31 = arith.constant 0 : i32
    %dma_wait3A_32 = tpu.memref_slice %arg4[%dma_wait3A_26, %dma_wait3A_30, %dma_wait3A_31] : memref<16384x56x128xf32, #tpu.memory_space<hbm>> -> memref<1x50x64xf32, #tpu.memory_space<hbm>>
    %dma_wait3A_33 = tpu.memref_squeeze %dma_wait3A_32 : memref<1x50x64xf32, #tpu.memory_space<hbm>> -> memref<50x64xf32, #tpu.memory_space<hbm>>
    %dma_wait3A_34 = arith.constant 0 : i32
    %dma_wait3A_35 = arith.constant 0 : i32
    %dma_wait3A_36 = tpu.memref_slice %arg4[%dma_wait3A_26, %dma_wait3A_34, %dma_wait3A_35] : memref<16384x56x128xf32, #tpu.memory_space<hbm>> -> memref<1x50x64xf32, #tpu.memory_space<hbm>>
    %dma_wait3A_37 = tpu.memref_squeeze %dma_wait3A_36 : memref<1x50x64xf32, #tpu.memory_space<hbm>> -> memref<50x64xf32, #tpu.memory_space<hbm>>
    %dma_wait3A_38 = arith.constant 50 : i32
    %dma_wait3A_39 = arith.constant 0 : i32
    %dma_wait3A_40 = tpu.memref_slice %arg7[%dma_wait3A_38, %dma_wait3A_39] : memref<400x64xf32, #tpu.memory_space<vmem>> -> memref<50x64xf32, #tpu.memory_space<vmem>>
    tpu.wait_dma2 semaphore(%arg10 : memref<!tpu.dma_semaphore, #tpu.memory_space<semaphore_mem>>) src(%dma_wait3A_40 : memref<50x64xf32, #tpu.memory_space<vmem>>) dst(%dma_wait3A_37 : memref<50x64xf32, #tpu.memory_space<hbm>>)
    %dma_wait3A_41 = arith.constant 0 : i32
    %dma_wait3A_42 = arith.constant 100 : i32
    %dma_wait3A_43 = arith.constant 0 : i32
    %dma_wait3A_44 = tpu.memref_slice %arg7[%dma_wait3A_42, %dma_wait3A_43] : memref<400x64xf32, #tpu.memory_space<vmem>> -> memref<50x64xf32, #tpu.memory_space<vmem>>
    %dma_wait3A_45 = arith.constant 0 : i32
    %dma_wait3A_46 = arith.constant 0 : i32
    %dma_wait3A_47 = tpu.memref_slice %arg4[%dma_wait3A_41, %dma_wait3A_45, %dma_wait3A_46] : memref<16384x56x128xf32, #tpu.memory_space<hbm>> -> memref<1x50x64xf32, #tpu.memory_space<hbm>>
    %dma_wait3A_48 = tpu.memref_squeeze %dma_wait3A_47 : memref<1x50x64xf32, #tpu.memory_space<hbm>> -> memref<50x64xf32, #tpu.memory_space<hbm>>
    %dma_wait3A_49 = arith.constant 0 : i32
    %dma_wait3A_50 = arith.constant 0 : i32
    %dma_wait3A_51 = tpu.memref_slice %arg4[%dma_wait3A_41, %dma_wait3A_49, %dma_wait3A_50] : memref<16384x56x128xf32, #tpu.memory_space<hbm>> -> memref<1x50x64xf32, #tpu.memory_space<hbm>>
    %dma_wait3A_52 = tpu.memref_squeeze %dma_wait3A_51 : memref<1x50x64xf32, #tpu.memory_space<hbm>> -> memref<50x64xf32, #tpu.memory_space<hbm>>
    %dma_wait3A_53 = arith.constant 100 : i32
    %dma_wait3A_54 = arith.constant 0 : i32
    %dma_wait3A_55 = tpu.memref_slice %arg7[%dma_wait3A_53, %dma_wait3A_54] : memref<400x64xf32, #tpu.memory_space<vmem>> -> memref<50x64xf32, #tpu.memory_space<vmem>>
    tpu.wait_dma2 semaphore(%arg10 : memref<!tpu.dma_semaphore, #tpu.memory_space<semaphore_mem>>) src(%dma_wait3A_55 : memref<50x64xf32, #tpu.memory_space<vmem>>) dst(%dma_wait3A_52 : memref<50x64xf32, #tpu.memory_space<hbm>>)
    %dma_wait3A_56 = arith.constant 0 : i32
    %dma_wait3A_57 = arith.constant 150 : i32
    %dma_wait3A_58 = arith.constant 0 : i32
    %dma_wait3A_59 = tpu.memref_slice %arg7[%dma_wait3A_57, %dma_wait3A_58] : memref<400x64xf32, #tpu.memory_space<vmem>> -> memref<50x64xf32, #tpu.memory_space<vmem>>
    %dma_wait3A_60 = arith.constant 0 : i32
    %dma_wait3A_61 = arith.constant 0 : i32
    %dma_wait3A_62 = tpu.memref_slice %arg4[%dma_wait3A_56, %dma_wait3A_60, %dma_wait3A_61] : memref<16384x56x128xf32, #tpu.memory_space<hbm>> -> memref<1x50x64xf32, #tpu.memory_space<hbm>>
    %dma_wait3A_63 = tpu.memref_squeeze %dma_wait3A_62 : memref<1x50x64xf32, #tpu.memory_space<hbm>> -> memref<50x64xf32, #tpu.memory_space<hbm>>
    %dma_wait3A_64 = arith.constant 0 : i32
    %dma_wait3A_65 = arith.constant 0 : i32
    %dma_wait3A_66 = tpu.memref_slice %arg4[%dma_wait3A_56, %dma_wait3A_64, %dma_wait3A_65] : memref<16384x56x128xf32, #tpu.memory_space<hbm>> -> memref<1x50x64xf32, #tpu.memory_space<hbm>>
    %dma_wait3A_67 = tpu.memref_squeeze %dma_wait3A_66 : memref<1x50x64xf32, #tpu.memory_space<hbm>> -> memref<50x64xf32, #tpu.memory_space<hbm>>
    %dma_wait3A_68 = arith.constant 150 : i32
    %dma_wait3A_69 = arith.constant 0 : i32
    %dma_wait3A_70 = tpu.memref_slice %arg7[%dma_wait3A_68, %dma_wait3A_69] : memref<400x64xf32, #tpu.memory_space<vmem>> -> memref<50x64xf32, #tpu.memory_space<vmem>>
    tpu.wait_dma2 semaphore(%arg10 : memref<!tpu.dma_semaphore, #tpu.memory_space<semaphore_mem>>) src(%dma_wait3A_70 : memref<50x64xf32, #tpu.memory_space<vmem>>) dst(%dma_wait3A_67 : memref<50x64xf32, #tpu.memory_space<hbm>>)
    %dma_wait3A_71 = arith.constant 0 : i32
    %dma_wait3A_72 = arith.constant 200 : i32
    %dma_wait3A_73 = arith.constant 0 : i32
    %dma_wait3A_74 = tpu.memref_slice %arg7[%dma_wait3A_72, %dma_wait3A_73] : memref<400x64xf32, #tpu.memory_space<vmem>> -> memref<50x64xf32, #tpu.memory_space<vmem>>
    %dma_wait3A_75 = arith.constant 0 : i32
    %dma_wait3A_76 = arith.constant 0 : i32
    %dma_wait3A_77 = tpu.memref_slice %arg4[%dma_wait3A_71, %dma_wait3A_75, %dma_wait3A_76] : memref<16384x56x128xf32, #tpu.memory_space<hbm>> -> memref<1x50x64xf32, #tpu.memory_space<hbm>>
    %dma_wait3A_78 = tpu.memref_squeeze %dma_wait3A_77 : memref<1x50x64xf32, #tpu.memory_space<hbm>> -> memref<50x64xf32, #tpu.memory_space<hbm>>
    %dma_wait3A_79 = arith.constant 0 : i32
    %dma_wait3A_80 = arith.constant 0 : i32
    %dma_wait3A_81 = tpu.memref_slice %arg4[%dma_wait3A_71, %dma_wait3A_79, %dma_wait3A_80] : memref<16384x56x128xf32, #tpu.memory_space<hbm>> -> memref<1x50x64xf32, #tpu.memory_space<hbm>>
    %dma_wait3A_82 = tpu.memref_squeeze %dma_wait3A_81 : memref<1x50x64xf32, #tpu.memory_space<hbm>> -> memref<50x64xf32, #tpu.memory_space<hbm>>
    %dma_wait3A_83 = arith.constant 200 : i32
    %dma_wait3A_84 = arith.constant 0 : i32
    %dma_wait3A_85 = tpu.memref_slice %arg7[%dma_wait3A_83, %dma_wait3A_84] : memref<400x64xf32, #tpu.memory_space<vmem>> -> memref<50x64xf32, #tpu.memory_space<vmem>>
    tpu.wait_dma2 semaphore(%arg10 : memref<!tpu.dma_semaphore, #tpu.memory_space<semaphore_mem>>) src(%dma_wait3A_85 : memref<50x64xf32, #tpu.memory_space<vmem>>) dst(%dma_wait3A_82 : memref<50x64xf32, #tpu.memory_space<hbm>>)
    %dma_wait3A_86 = arith.constant 0 : i32
    %dma_wait3A_87 = arith.constant 250 : i32
    %dma_wait3A_88 = arith.constant 0 : i32
    %dma_wait3A_89 = tpu.memref_slice %arg7[%dma_wait3A_87, %dma_wait3A_88] : memref<400x64xf32, #tpu.memory_space<vmem>> -> memref<50x64xf32, #tpu.memory_space<vmem>>
    %dma_wait3A_90 = arith.constant 0 : i32
    %dma_wait3A_91 = arith.constant 0 : i32
    %dma_wait3A_92 = tpu.memref_slice %arg4[%dma_wait3A_86, %dma_wait3A_90, %dma_wait3A_91] : memref<16384x56x128xf32, #tpu.memory_space<hbm>> -> memref<1x50x64xf32, #tpu.memory_space<hbm>>
    %dma_wait3A_93 = tpu.memref_squeeze %dma_wait3A_92 : memref<1x50x64xf32, #tpu.memory_space<hbm>> -> memref<50x64xf32, #tpu.memory_space<hbm>>
    %dma_wait3A_94 = arith.constant 0 : i32
    %dma_wait3A_95 = arith.constant 0 : i32
    %dma_wait3A_96 = tpu.memref_slice %arg4[%dma_wait3A_86, %dma_wait3A_94, %dma_wait3A_95] : memref<16384x56x128xf32, #tpu.memory_space<hbm>> -> memref<1x50x64xf32, #tpu.memory_space<hbm>>
    %dma_wait3A_97 = tpu.memref_squeeze %dma_wait3A_96 : memref<1x50x64xf32, #tpu.memory_space<hbm>> -> memref<50x64xf32, #tpu.memory_space<hbm>>
    %dma_wait3A_98 = arith.constant 250 : i32
    %dma_wait3A_99 = arith.constant 0 : i32
    %dma_wait3A_100 = tpu.memref_slice %arg7[%dma_wait3A_98, %dma_wait3A_99] : memref<400x64xf32, #tpu.memory_space<vmem>> -> memref<50x64xf32, #tpu.memory_space<vmem>>
    tpu.wait_dma2 semaphore(%arg10 : memref<!tpu.dma_semaphore, #tpu.memory_space<semaphore_mem>>) src(%dma_wait3A_100 : memref<50x64xf32, #tpu.memory_space<vmem>>) dst(%dma_wait3A_97 : memref<50x64xf32, #tpu.memory_space<hbm>>)
    %dma_wait3A_101 = arith.constant 0 : i32
    %dma_wait3A_102 = arith.constant 300 : i32
    %dma_wait3A_103 = arith.constant 0 : i32
    %dma_wait3A_104 = tpu.memref_slice %arg7[%dma_wait3A_102, %dma_wait3A_103] : memref<400x64xf32, #tpu.memory_space<vmem>> -> memref<50x64xf32, #tpu.memory_space<vmem>>
    %dma_wait3A_105 = arith.constant 0 : i32
    %dma_wait3A_106 = arith.constant 0 : i32
    %dma_wait3A_107 = tpu.memref_slice %arg4[%dma_wait3A_101, %dma_wait3A_105, %dma_wait3A_106] : memref<16384x56x128xf32, #tpu.memory_space<hbm>> -> memref<1x50x64xf32, #tpu.memory_space<hbm>>
    %dma_wait3A_108 = tpu.memref_squeeze %dma_wait3A_107 : memref<1x50x64xf32, #tpu.memory_space<hbm>> -> memref<50x64xf32, #tpu.memory_space<hbm>>
    %dma_wait3A_109 = arith.constant 0 : i32
    %dma_wait3A_110 = arith.constant 0 : i32
    %dma_wait3A_111 = tpu.memref_slice %arg4[%dma_wait3A_101, %dma_wait3A_109, %dma_wait3A_110] : memref<16384x56x128xf32, #tpu.memory_space<hbm>> -> memref<1x50x64xf32, #tpu.memory_space<hbm>>
    %dma_wait3A_112 = tpu.memref_squeeze %dma_wait3A_111 : memref<1x50x64xf32, #tpu.memory_space<hbm>> -> memref<50x64xf32, #tpu.memory_space<hbm>>
    %dma_wait3A_113 = arith.constant 300 : i32
    %dma_wait3A_114 = arith.constant 0 : i32
    %dma_wait3A_115 = tpu.memref_slice %arg7[%dma_wait3A_113, %dma_wait3A_114] : memref<400x64xf32, #tpu.memory_space<vmem>> -> memref<50x64xf32, #tpu.memory_space<vmem>>
    tpu.wait_dma2 semaphore(%arg10 : memref<!tpu.dma_semaphore, #tpu.memory_space<semaphore_mem>>) src(%dma_wait3A_115 : memref<50x64xf32, #tpu.memory_space<vmem>>) dst(%dma_wait3A_112 : memref<50x64xf32, #tpu.memory_space<hbm>>)
    %dma_wait3A_116 = arith.constant 0 : i32
    %dma_wait3A_117 = arith.constant 350 : i32
    %dma_wait3A_118 = arith.constant 0 : i32
    %dma_wait3A_119 = tpu.memref_slice %arg7[%dma_wait3A_117, %dma_wait3A_118] : memref<400x64xf32, #tpu.memory_space<vmem>> -> memref<50x64xf32, #tpu.memory_space<vmem>>
    %dma_wait3A_120 = arith.constant 0 : i32
    %dma_wait3A_121 = arith.constant 0 : i32
    %dma_wait3A_122 = tpu.memref_slice %arg4[%dma_wait3A_116, %dma_wait3A_120, %dma_wait3A_121] : memref<16384x56x128xf32, #tpu.memory_space<hbm>> -> memref<1x50x64xf32, #tpu.memory_space<hbm>>
    %dma_wait3A_123 = tpu.memref_squeeze %dma_wait3A_122 : memref<1x50x64xf32, #tpu.memory_space<hbm>> -> memref<50x64xf32, #tpu.memory_space<hbm>>
    %dma_wait3A_124 = arith.constant 0 : i32
    %dma_wait3A_125 = arith.constant 0 : i32
    %dma_wait3A_126 = tpu.memref_slice %arg4[%dma_wait3A_116, %dma_wait3A_124, %dma_wait3A_125] : memref<16384x56x128xf32, #tpu.memory_space<hbm>> -> memref<1x50x64xf32, #tpu.memory_space<hbm>>
    %dma_wait3A_127 = tpu.memref_squeeze %dma_wait3A_126 : memref<1x50x64xf32, #tpu.memory_space<hbm>> -> memref<50x64xf32, #tpu.memory_space<hbm>>
    %dma_wait3A_128 = arith.constant 350 : i32
    %dma_wait3A_129 = arith.constant 0 : i32
    %dma_wait3A_130 = tpu.memref_slice %arg7[%dma_wait3A_128, %dma_wait3A_129] : memref<400x64xf32, #tpu.memory_space<vmem>> -> memref<50x64xf32, #tpu.memory_space<vmem>>
    tpu.wait_dma2 semaphore(%arg10 : memref<!tpu.dma_semaphore, #tpu.memory_space<semaphore_mem>>) src(%dma_wait3A_130 : memref<50x64xf32, #tpu.memory_space<vmem>>) dst(%dma_wait3A_127 : memref<50x64xf32, #tpu.memory_space<hbm>>)
    %dma_wait3A_131 = arith.constant 0 : i32
    %dma_wait3A_132 = arith.constant 0 : i32
    %dma_wait3A_133 = arith.constant 0 : i32
    %dma_wait3A_134 = tpu.memref_slice %arg8[%dma_wait3A_132, %dma_wait3A_133] : memref<400x64xf32, #tpu.memory_space<vmem>> -> memref<50x64xf32, #tpu.memory_space<vmem>>
    %dma_wait3A_135 = arith.constant 0 : i32
    %dma_wait3A_136 = arith.constant 0 : i32
    %dma_wait3A_137 = tpu.memref_slice %arg4[%dma_wait3A_131, %dma_wait3A_135, %dma_wait3A_136] : memref<16384x56x128xf32, #tpu.memory_space<hbm>> -> memref<1x50x64xf32, #tpu.memory_space<hbm>>
    %dma_wait3A_138 = tpu.memref_squeeze %dma_wait3A_137 : memref<1x50x64xf32, #tpu.memory_space<hbm>> -> memref<50x64xf32, #tpu.memory_space<hbm>>
    %dma_wait3A_139 = arith.constant 0 : i32
    %dma_wait3A_140 = arith.constant 0 : i32
    %dma_wait3A_141 = tpu.memref_slice %arg4[%dma_wait3A_131, %dma_wait3A_139, %dma_wait3A_140] : memref<16384x56x128xf32, #tpu.memory_space<hbm>> -> memref<1x50x64xf32, #tpu.memory_space<hbm>>
    %dma_wait3A_142 = tpu.memref_squeeze %dma_wait3A_141 : memref<1x50x64xf32, #tpu.memory_space<hbm>> -> memref<50x64xf32, #tpu.memory_space<hbm>>
    %dma_wait3A_143 = arith.constant 0 : i32
    %dma_wait3A_144 = arith.constant 0 : i32
    %dma_wait3A_145 = tpu.memref_slice %arg8[%dma_wait3A_143, %dma_wait3A_144] : memref<400x64xf32, #tpu.memory_space<vmem>> -> memref<50x64xf32, #tpu.memory_space<vmem>>
    tpu.wait_dma2 semaphore(%arg11 : memref<!tpu.dma_semaphore, #tpu.memory_space<semaphore_mem>>) src(%dma_wait3A_145 : memref<50x64xf32, #tpu.memory_space<vmem>>) dst(%dma_wait3A_142 : memref<50x64xf32, #tpu.memory_space<hbm>>)
    %dma_wait3A_146 = arith.constant 0 : i32
    %dma_wait3A_147 = arith.constant 50 : i32
    %dma_wait3A_148 = arith.constant 0 : i32
    %dma_wait3A_149 = tpu.memref_slice %arg8[%dma_wait3A_147, %dma_wait3A_148] : memref<400x64xf32, #tpu.memory_space<vmem>> -> memref<50x64xf32, #tpu.memory_space<vmem>>
    %dma_wait3A_150 = arith.constant 0 : i32
    %dma_wait3A_151 = arith.constant 0 : i32
    %dma_wait3A_152 = tpu.memref_slice %arg4[%dma_wait3A_146, %dma_wait3A_150, %dma_wait3A_151] : memref<16384x56x128xf32, #tpu.memory_space<hbm>> -> memref<1x50x64xf32, #tpu.memory_space<hbm>>
    %dma_wait3A_153 = tpu.memref_squeeze %dma_wait3A_152 : memref<1x50x64xf32, #tpu.memory_space<hbm>> -> memref<50x64xf32, #tpu.memory_space<hbm>>
    %dma_wait3A_154 = arith.constant 0 : i32
    %dma_wait3A_155 = arith.constant 0 : i32
    %dma_wait3A_156 = tpu.memref_slice %arg4[%dma_wait3A_146, %dma_wait3A_154, %dma_wait3A_155] : memref<16384x56x128xf32, #tpu.memory_space<hbm>> -> memref<1x50x64xf32, #tpu.memory_space<hbm>>
    %dma_wait3A_157 = tpu.memref_squeeze %dma_wait3A_156 : memref<1x50x64xf32, #tpu.memory_space<hbm>> -> memref<50x64xf32, #tpu.memory_space<hbm>>
    %dma_wait3A_158 = arith.constant 50 : i32
    %dma_wait3A_159 = arith.constant 0 : i32
    %dma_wait3A_160 = tpu.memref_slice %arg8[%dma_wait3A_158, %dma_wait3A_159] : memref<400x64xf32, #tpu.memory_space<vmem>> -> memref<50x64xf32, #tpu.memory_space<vmem>>
    tpu.wait_dma2 semaphore(%arg11 : memref<!tpu.dma_semaphore, #tpu.memory_space<semaphore_mem>>) src(%dma_wait3A_160 : memref<50x64xf32, #tpu.memory_space<vmem>>) dst(%dma_wait3A_157 : memref<50x64xf32, #tpu.memory_space<hbm>>)
    %dma_wait3A_161 = arith.constant 0 : i32
    %dma_wait3A_162 = arith.constant 100 : i32
    %dma_wait3A_163 = arith.constant 0 : i32
    %dma_wait3A_164 = tpu.memref_slice %arg8[%dma_wait3A_162, %dma_wait3A_163] : memref<400x64xf32, #tpu.memory_space<vmem>> -> memref<50x64xf32, #tpu.memory_space<vmem>>
    %dma_wait3A_165 = arith.constant 0 : i32
    %dma_wait3A_166 = arith.constant 0 : i32
    %dma_wait3A_167 = tpu.memref_slice %arg4[%dma_wait3A_161, %dma_wait3A_165, %dma_wait3A_166] : memref<16384x56x128xf32, #tpu.memory_space<hbm>> -> memref<1x50x64xf32, #tpu.memory_space<hbm>>
    %dma_wait3A_168 = tpu.memref_squeeze %dma_wait3A_167 : memref<1x50x64xf32, #tpu.memory_space<hbm>> -> memref<50x64xf32, #tpu.memory_space<hbm>>
    %dma_wait3A_169 = arith.constant 0 : i32
    %dma_wait3A_170 = arith.constant 0 : i32
    %dma_wait3A_171 = tpu.memref_slice %arg4[%dma_wait3A_161, %dma_wait3A_169, %dma_wait3A_170] : memref<16384x56x128xf32, #tpu.memory_space<hbm>> -> memref<1x50x64xf32, #tpu.memory_space<hbm>>
    %dma_wait3A_172 = tpu.memref_squeeze %dma_wait3A_171 : memref<1x50x64xf32, #tpu.memory_space<hbm>> -> memref<50x64xf32, #tpu.memory_space<hbm>>
    %dma_wait3A_173 = arith.constant 100 : i32
    %dma_wait3A_174 = arith.constant 0 : i32
    %dma_wait3A_175 = tpu.memref_slice %arg8[%dma_wait3A_173, %dma_wait3A_174] : memref<400x64xf32, #tpu.memory_space<vmem>> -> memref<50x64xf32, #tpu.memory_space<vmem>>
    tpu.wait_dma2 semaphore(%arg11 : memref<!tpu.dma_semaphore, #tpu.memory_space<semaphore_mem>>) src(%dma_wait3A_175 : memref<50x64xf32, #tpu.memory_space<vmem>>) dst(%dma_wait3A_172 : memref<50x64xf32, #tpu.memory_space<hbm>>)
    %dma_wait3A_176 = arith.constant 0 : i32
    %dma_wait3A_177 = arith.constant 150 : i32
    %dma_wait3A_178 = arith.constant 0 : i32
    %dma_wait3A_179 = tpu.memref_slice %arg8[%dma_wait3A_177, %dma_wait3A_178] : memref<400x64xf32, #tpu.memory_space<vmem>> -> memref<50x64xf32, #tpu.memory_space<vmem>>
    %dma_wait3A_180 = arith.constant 0 : i32
    %dma_wait3A_181 = arith.constant 0 : i32
    %dma_wait3A_182 = tpu.memref_slice %arg4[%dma_wait3A_176, %dma_wait3A_180, %dma_wait3A_181] : memref<16384x56x128xf32, #tpu.memory_space<hbm>> -> memref<1x50x64xf32, #tpu.memory_space<hbm>>
    %dma_wait3A_183 = tpu.memref_squeeze %dma_wait3A_182 : memref<1x50x64xf32, #tpu.memory_space<hbm>> -> memref<50x64xf32, #tpu.memory_space<hbm>>
    %dma_wait3A_184 = arith.constant 0 : i32
    %dma_wait3A_185 = arith.constant 0 : i32
    %dma_wait3A_186 = tpu.memref_slice %arg4[%dma_wait3A_176, %dma_wait3A_184, %dma_wait3A_185] : memref<16384x56x128xf32, #tpu.memory_space<hbm>> -> memref<1x50x64xf32, #tpu.memory_space<hbm>>
    %dma_wait3A_187 = tpu.memref_squeeze %dma_wait3A_186 : memref<1x50x64xf32, #tpu.memory_space<hbm>> -> memref<50x64xf32, #tpu.memory_space<hbm>>
    %dma_wait3A_188 = arith.constant 150 : i32
    %dma_wait3A_189 = arith.constant 0 : i32
    %dma_wait3A_190 = tpu.memref_slice %arg8[%dma_wait3A_188, %dma_wait3A_189] : memref<400x64xf32, #tpu.memory_space<vmem>> -> memref<50x64xf32, #tpu.memory_space<vmem>>
    tpu.wait_dma2 semaphore(%arg11 : memref<!tpu.dma_semaphore, #tpu.memory_space<semaphore_mem>>) src(%dma_wait3A_190 : memref<50x64xf32, #tpu.memory_space<vmem>>) dst(%dma_wait3A_187 : memref<50x64xf32, #tpu.memory_space<hbm>>)
    %dma_wait3A_191 = arith.constant 0 : i32
    %dma_wait3A_192 = arith.constant 200 : i32
    %dma_wait3A_193 = arith.constant 0 : i32
    %dma_wait3A_194 = tpu.memref_slice %arg8[%dma_wait3A_192, %dma_wait3A_193] : memref<400x64xf32, #tpu.memory_space<vmem>> -> memref<50x64xf32, #tpu.memory_space<vmem>>
    %dma_wait3A_195 = arith.constant 0 : i32
    %dma_wait3A_196 = arith.constant 0 : i32
    %dma_wait3A_197 = tpu.memref_slice %arg4[%dma_wait3A_191, %dma_wait3A_195, %dma_wait3A_196] : memref<16384x56x128xf32, #tpu.memory_space<hbm>> -> memref<1x50x64xf32, #tpu.memory_space<hbm>>
    %dma_wait3A_198 = tpu.memref_squeeze %dma_wait3A_197 : memref<1x50x64xf32, #tpu.memory_space<hbm>> -> memref<50x64xf32, #tpu.memory_space<hbm>>
    %dma_wait3A_199 = arith.constant 0 : i32
    %dma_wait3A_200 = arith.constant 0 : i32
    %dma_wait3A_201 = tpu.memref_slice %arg4[%dma_wait3A_191, %dma_wait3A_199, %dma_wait3A_200] : memref<16384x56x128xf32, #tpu.memory_space<hbm>> -> memref<1x50x64xf32, #tpu.memory_space<hbm>>
    %dma_wait3A_202 = tpu.memref_squeeze %dma_wait3A_201 : memref<1x50x64xf32, #tpu.memory_space<hbm>> -> memref<50x64xf32, #tpu.memory_space<hbm>>
    %dma_wait3A_203 = arith.constant 200 : i32
    %dma_wait3A_204 = arith.constant 0 : i32
    %dma_wait3A_205 = tpu.memref_slice %arg8[%dma_wait3A_203, %dma_wait3A_204] : memref<400x64xf32, #tpu.memory_space<vmem>> -> memref<50x64xf32, #tpu.memory_space<vmem>>
    tpu.wait_dma2 semaphore(%arg11 : memref<!tpu.dma_semaphore, #tpu.memory_space<semaphore_mem>>) src(%dma_wait3A_205 : memref<50x64xf32, #tpu.memory_space<vmem>>) dst(%dma_wait3A_202 : memref<50x64xf32, #tpu.memory_space<hbm>>)
    %dma_wait3A_206 = arith.constant 0 : i32
    %dma_wait3A_207 = arith.constant 250 : i32
    %dma_wait3A_208 = arith.constant 0 : i32
    %dma_wait3A_209 = tpu.memref_slice %arg8[%dma_wait3A_207, %dma_wait3A_208] : memref<400x64xf32, #tpu.memory_space<vmem>> -> memref<50x64xf32, #tpu.memory_space<vmem>>
    %dma_wait3A_210 = arith.constant 0 : i32
    %dma_wait3A_211 = arith.constant 0 : i32
    %dma_wait3A_212 = tpu.memref_slice %arg4[%dma_wait3A_206, %dma_wait3A_210, %dma_wait3A_211] : memref<16384x56x128xf32, #tpu.memory_space<hbm>> -> memref<1x50x64xf32, #tpu.memory_space<hbm>>
    %dma_wait3A_213 = tpu.memref_squeeze %dma_wait3A_212 : memref<1x50x64xf32, #tpu.memory_space<hbm>> -> memref<50x64xf32, #tpu.memory_space<hbm>>
    %dma_wait3A_214 = arith.constant 0 : i32
    %dma_wait3A_215 = arith.constant 0 : i32
    %dma_wait3A_216 = tpu.memref_slice %arg4[%dma_wait3A_206, %dma_wait3A_214, %dma_wait3A_215] : memref<16384x56x128xf32, #tpu.memory_space<hbm>> -> memref<1x50x64xf32, #tpu.memory_space<hbm>>
    %dma_wait3A_217 = tpu.memref_squeeze %dma_wait3A_216 : memref<1x50x64xf32, #tpu.memory_space<hbm>> -> memref<50x64xf32, #tpu.memory_space<hbm>>
    %dma_wait3A_218 = arith.constant 250 : i32
    %dma_wait3A_219 = arith.constant 0 : i32
    %dma_wait3A_220 = tpu.memref_slice %arg8[%dma_wait3A_218, %dma_wait3A_219] : memref<400x64xf32, #tpu.memory_space<vmem>> -> memref<50x64xf32, #tpu.memory_space<vmem>>
    tpu.wait_dma2 semaphore(%arg11 : memref<!tpu.dma_semaphore, #tpu.memory_space<semaphore_mem>>) src(%dma_wait3A_220 : memref<50x64xf32, #tpu.memory_space<vmem>>) dst(%dma_wait3A_217 : memref<50x64xf32, #tpu.memory_space<hbm>>)
    %dma_wait3A_221 = arith.constant 0 : i32
    %dma_wait3A_222 = arith.constant 300 : i32
    %dma_wait3A_223 = arith.constant 0 : i32
    %dma_wait3A_224 = tpu.memref_slice %arg8[%dma_wait3A_222, %dma_wait3A_223] : memref<400x64xf32, #tpu.memory_space<vmem>> -> memref<50x64xf32, #tpu.memory_space<vmem>>
    %dma_wait3A_225 = arith.constant 0 : i32
    %dma_wait3A_226 = arith.constant 0 : i32
    %dma_wait3A_227 = tpu.memref_slice %arg4[%dma_wait3A_221, %dma_wait3A_225, %dma_wait3A_226] : memref<16384x56x128xf32, #tpu.memory_space<hbm>> -> memref<1x50x64xf32, #tpu.memory_space<hbm>>
    %dma_wait3A_228 = tpu.memref_squeeze %dma_wait3A_227 : memref<1x50x64xf32, #tpu.memory_space<hbm>> -> memref<50x64xf32, #tpu.memory_space<hbm>>
    %dma_wait3A_229 = arith.constant 0 : i32
    %dma_wait3A_230 = arith.constant 0 : i32
    %dma_wait3A_231 = tpu.memref_slice %arg4[%dma_wait3A_221, %dma_wait3A_229, %dma_wait3A_230] : memref<16384x56x128xf32, #tpu.memory_space<hbm>> -> memref<1x50x64xf32, #tpu.memory_space<hbm>>
    %dma_wait3A_232 = tpu.memref_squeeze %dma_wait3A_231 : memref<1x50x64xf32, #tpu.memory_space<hbm>> -> memref<50x64xf32, #tpu.memory_space<hbm>>
    %dma_wait3A_233 = arith.constant 300 : i32
    %dma_wait3A_234 = arith.constant 0 : i32
    %dma_wait3A_235 = tpu.memref_slice %arg8[%dma_wait3A_233, %dma_wait3A_234] : memref<400x64xf32, #tpu.memory_space<vmem>> -> memref<50x64xf32, #tpu.memory_space<vmem>>
    tpu.wait_dma2 semaphore(%arg11 : memref<!tpu.dma_semaphore, #tpu.memory_space<semaphore_mem>>) src(%dma_wait3A_235 : memref<50x64xf32, #tpu.memory_space<vmem>>) dst(%dma_wait3A_232 : memref<50x64xf32, #tpu.memory_space<hbm>>)
    %dma_wait3A_236 = arith.constant 0 : i32
    %dma_wait3A_237 = arith.constant 350 : i32
    %dma_wait3A_238 = arith.constant 0 : i32
    %dma_wait3A_239 = tpu.memref_slice %arg8[%dma_wait3A_237, %dma_wait3A_238] : memref<400x64xf32, #tpu.memory_space<vmem>> -> memref<50x64xf32, #tpu.memory_space<vmem>>
    %dma_wait3A_240 = arith.constant 0 : i32
    %dma_wait3A_241 = arith.constant 0 : i32
    %dma_wait3A_242 = tpu.memref_slice %arg4[%dma_wait3A_236, %dma_wait3A_240, %dma_wait3A_241] : memref<16384x56x128xf32, #tpu.memory_space<hbm>> -> memref<1x50x64xf32, #tpu.memory_space<hbm>>
    %dma_wait3A_243 = tpu.memref_squeeze %dma_wait3A_242 : memref<1x50x64xf32, #tpu.memory_space<hbm>> -> memref<50x64xf32, #tpu.memory_space<hbm>>
    %dma_wait3A_244 = arith.constant 0 : i32
    %dma_wait3A_245 = arith.constant 0 : i32
    %dma_wait3A_246 = tpu.memref_slice %arg4[%dma_wait3A_236, %dma_wait3A_244, %dma_wait3A_245] : memref<16384x56x128xf32, #tpu.memory_space<hbm>> -> memref<1x50x64xf32, #tpu.memory_space<hbm>>
    %dma_wait3A_247 = tpu.memref_squeeze %dma_wait3A_246 : memref<1x50x64xf32, #tpu.memory_space<hbm>> -> memref<50x64xf32, #tpu.memory_space<hbm>>
    %dma_wait3A_248 = arith.constant 350 : i32
    %dma_wait3A_249 = arith.constant 0 : i32
    %dma_wait3A_250 = tpu.memref_slice %arg8[%dma_wait3A_248, %dma_wait3A_249] : memref<400x64xf32, #tpu.memory_space<vmem>> -> memref<50x64xf32, #tpu.memory_space<vmem>>
    tpu.wait_dma2 semaphore(%arg11 : memref<!tpu.dma_semaphore, #tpu.memory_space<semaphore_mem>>) src(%dma_wait3A_250 : memref<50x64xf32, #tpu.memory_space<vmem>>) dst(%dma_wait3A_247 : memref<50x64xf32, #tpu.memory_space<hbm>>)
    return
  }
}

module attributes {stable_mosaic.version = 14 : i64} {
  func.func @_mod_table_body(%arg0: memref<1x1xf32, #tpu.memory_space<smem>>, %arg1: memref<1000x64xf32, #tpu.memory_space<vmem>>, %arg2: memref<1000x1xf32, #tpu.memory_space<vmem>>, %arg3: memref<1000x64xf32, #tpu.memory_space<vmem>>) attributes {dimension_semantics = [], scalar_prefetch = 0 : i64, scratch_operands = 0 : i64, tpu.core_type = #tpu.core_type<tc>} {
    %get3A = arith.constant 0 : index
    %get3A_0 = arith.constant 0 : index
    %get3A_1 = memref.load %arg0[%get3A, %get3A_0] : memref<1x1xf32, #tpu.memory_space<smem>>
    %mul3A = arith.constant 37.6991119 : f32
    %mul3A_2 = arith.mulf %mul3A, %get3A_1 : f32
    %cos3A = math.cos %mul3A_2 : f32
    %mul3A_3 = arith.constant 5.000000e-01 : f32
    %mul3A_4 = arith.mulf %mul3A_3, %cos3A : f32
    %add3A = arith.constant 5.000000e-01 : f32
    %add3A_5 = arith.addf %add3A, %mul3A_4 : f32
    %mul3A_6 = arith.constant 251.327408 : f32
    %mul3A_7 = arith.mulf %mul3A_6, %get3A_1 : f32
    %get3A_8 = arith.constant 0 : index
    %get3A_9 = arith.constant 0 : index
    %get3A_10 = vector.load %arg2[%get3A_8, %get3A_9] : memref<1000x1xf32, #tpu.memory_space<vmem>>, vector<1000x1xf32>
    %sub3A = vector.broadcast %mul3A_7 : f32 to vector<1000x1xf32>
    %sub3A_11 = arith.subf %sub3A, %get3A_10 : vector<1000x1xf32>
    %cos3A_12 = math.cos %sub3A_11 : vector<1000x1xf32>
    %mul3A_13 = arith.constant 5.000000e-01 : f32
    %mul3A_14 = vector.broadcast %mul3A_13 : f32 to vector<1000x1xf32>
    %mul3A_15 = arith.mulf %mul3A_14, %cos3A_12 : vector<1000x1xf32>
    %add3A_16 = arith.constant 5.000000e-01 : f32
    %add3A_17 = vector.broadcast %add3A_16 : f32 to vector<1000x1xf32>
    %add3A_18 = arith.addf %add3A_17, %mul3A_15 : vector<1000x1xf32>
    %mul3A_19 = vector.broadcast %add3A_5 : f32 to vector<1000x1xf32>
    %mul3A_20 = arith.mulf %mul3A_19, %add3A_18 : vector<1000x1xf32>
    %get3A_21 = arith.constant 0 : index
    %get3A_22 = arith.constant 0 : index
    %get3A_23 = vector.load %arg1[%get3A_21, %get3A_22] : memref<1000x64xf32, #tpu.memory_space<vmem>>, vector<1000x64xf32>
    %mul3A_24 = vector.broadcast %mul3A_20 : vector<1000x1xf32> to vector<1000x64xf32>
    %mul3A_25 = arith.mulf %get3A_23, %mul3A_24 : vector<1000x64xf32>
    %swap3A = arith.constant 0 : index
    %swap3A_26 = arith.constant 0 : index
    %swap3A_27 = vector.load %arg3[%swap3A, %swap3A_26] : memref<1000x64xf32, #tpu.memory_space<vmem>>, vector<1000x64xf32>
    tpu.vector_store %arg3[%swap3A, %swap3A_26], %mul3A_25 {strides = array<i32>} : memref<1000x64xf32, #tpu.memory_space<vmem>>, vector<1000x64xf32>,
    return
  }
}

</mosaic_0001>

<sc_bundles>
// kernel: kernel.4.cloned.1.call-start
scs
__scs_entry_jumppad:
0x0: {  	(pc) =	sbr.rel $0x88, $3  }
0x1: {  	(tag) =	ssettag $0x0;
	lr =	simm.s32 $0x1  }
0x2: {  	[smem:$0x3F9D] =	sst lr;
	_ =	strace $0xD0000000  }
0x3: {  	_ = 	snop  }
0x4: {  	_ = 	snop  }
0x5: {  	_ = 	snop  }
0x6: {  	_ = 	snop  }
0x7: {  	_ = 	snop  }
__scs_overlays_trampoline_lowered:
0x8: {  	[smem:$0x3FAC] =	sst s0  }
0x9: {  	[smem:$0x3FAD] =	sst s1  }
0xa: {  	[smem:$0x3FAE] =	sst s2  }
0xb: {  	[smem:$0x3FAF] =	sst s3  }
0xc: {  	[smem:$0x3FB0] =	sst s4  }
0xd: {  	[smem:$0x3FB1] =	sst s5  }
0xe: {  	[smem:$0x3FB2] =	sst s6  }
0xf: {  	[smem:$0x3FB3] =	sst s7  }
0x10: {  	[smem:$0x3FB4] =	sst s8  }
0x11: {  	[smem:$0x3FB5] =	sst s9;
	s0 =	simm.s32 @!p0 $0x0  }
0x12: {  	s1 =	sld [smem:$0x3F9B];
	s0 =	simm.s32 @p0 $0x1  }
0x13: {  	[smem:$0x3FB6] =	sst s0;
	s0 =	simm.s32 @!p1 $0x0  }
0x14: {  	s2 =	sld [smem:$0x3F9A];
	s0 =	simm.s32 @p1 $0x1  }
0x15: {  	[smem:$0x3FB7] =	sst s0;
	s0 =	simm.s32 @!p2 $0x0  }
0x16: {  	s3 =	sld [smem:$0x3FDB];
	s0 =	simm.s32 @p2 $0x1  }
0x17: {  	s4 =	simm.s32 $0x1BF5;
	[smem:$0x3FB9] =	sst s0  }
0x18: {  	s0 =	sld [smem:$0x3F9C];
	_ =	swait.ge [sflag:s4], $0x0  }
0x19: {  	s7 =	sld [smem:$0x3F9D]  }
0x1a: {  	s8 =	sadd.s32 $0xFFFFE003, lr  }
0x1b: {  	s9 =	sadd.s32 $0xFFFFFEF7, lr;
	s5 =	simm.s32 $0xFFFFFFFF;
	p2 =	slt.u32 s8, $0xFFFFF086  }
0x1c: {  	p1 =	slt.u32 s9, $0xF7A;
	s5 =	simm.s32 @!p2 $0x0  }
0x1d: {  	s5 =	simm.s32 @p1 $0x1;
	p0 =	seq.s32 s7, s2  }
0x1e: {  	s7 =	smul.u32 @!p0 $0xF7A, s2;
	p2 =	seq.s32 @!p0 s5, $0x0  }
0x1f: {  	s9 =	smul.u32 $0xF7A, s1;
	s8 =	simm.s32 @!p0 $0x1BF5;
	p2 =	por !p2, p0  }
0x20: {  	[sflag:s8] =	ssyncset.s32 @!p0 $0xFFFFF086;
	s6 =	sadd.s32 @!p0 s3, s7;
	s7 =	simm.s32 @!p0 $0x108  }
0x21: {  	s3 =	sadd.s32 s3, s9;
	s6 =	sadd.s32 @!p0 $0x88, s6;
	s7 =	simm.s32 @p2 $0x1082  }
0x22: {  	[simem:s7], [sflag:s8] =	dma.local @!p0 [hbm:s6], $0xF7A  }
0x23: {  	s9 =	sor.u32 $0xD0000000, s2;
	s6 =	simm.s32 $0x108;
	_ =	swait.ge @!p0 [sflag:s8], $0x0  }
0x24: {  	s3 =	sadd.s32 $0x88, s3;
	s6 =	simm.s32 @!p1 $0x1082;
	[sflag:s4] =	ssyncset.s32 $0xFFFFF086  }
0x25: {  	[simem:s6], [sflag:s4] =	dma.local [hbm:s3], $0xF7A  }
0x26: {  	[smem:$0x3F9D] =	sst s1;
	(tag) =	ssettag s2;
	_ =	strace s9  }
0x27: {  	s1 =	sld [smem:$0x3FAD]  }
0x28: {  	s2 =	sld [smem:$0x3FAE]  }
0x29: {  	s4 =	sld [smem:$0x3FB0]  }
0x2a: {  	p0 =	seq.s32 s5, $0x0;
	s5 =	sld [smem:$0x3FB1]  }
0x2b: {  	s6 =	sld [smem:$0x3FB2]  }
0x2c: {  	s7 =	sld [smem:$0x3FB3]  }
0x2d: {  	s3 =	simm.s32 $0x108;
	s8 =	sld [smem:$0x3FB4]  }
0x2e: {  	s3 =	simm.s32 @!p0 $0x1082;
	s9 =	sld [smem:$0x3FB5]  }
0x2f: {  	lr =	sadd.s32 s0, s3;
	s0 =	sld [smem:$0x3FAC]  }
0x30: {  	s3 =	sld [smem:$0x3FAF]  }
0x31: {  	[smem:$0x3FB8] =	sst s10  }
0x32: {  	s10 =	sld [smem:$0x3FB6];
	_ =	sdelay $0x3  }
0x33: {  	p0 =	seq.s32 s10, $0x1;
	s10 =	sld [smem:$0x3FB8];
	_ =	sdelay $0x3  }
0x34: {  	[smem:$0x3FB8] =	sst s10  }
0x35: {  	s10 =	sld [smem:$0x3FB7];
	_ =	sdelay $0x3  }
0x36: {  	p1 =	seq.s32 s10, $0x1;
	s10 =	sld [smem:$0x3FB8];
	_ =	sdelay $0x3  }
0x37: {  	[smem:$0x3FB8] =	sst s10  }
0x38: {  	s10 =	sld [smem:$0x3FB9]  }
0x39: {  	_ = 	snop;
	(pc) =	sbr.ind lr, $3  }
0x3a: {  	_ = 	snop  }
0x3b: {  	_ = 	snop  }
0x3c: {  	p2 =	seq.s32 s10, $0x1;
	s10 =	sld [smem:$0x3FB8]  }
0x3d: {  	_ =	shalt  }
0x3e: {  	_ =	shalt  }
0x3f: {  	_ =	shalt  }
0x40: {  	_ =	shalt  }
0x41: {  	_ =	shalt  }
0x42: {  	_ =	shalt  }
0x43: {  	_ =	shalt  }
0x44: {  	_ =	shalt  }
0x45: {  	_ =	shalt  }
0x46: {  	_ =	shalt  }
0x47: {  	_ =	shalt  }
0x48: {  	_ =	shalt  }
0x49: {  	_ =	shalt  }
0x4a: {  	_ =	shalt  }
0x4b: {  	_ =	shalt  }
0x4c: {  	_ =	shalt  }
0x4d: {  	_ =	shalt  }
0x4e: {  	_ =	shalt  }
0x4f: {  	_ =	shalt  }
0x50: {  	_ =	shalt  }
0x51: {  	_ =	shalt  }
0x52: {  	_ =	shalt  }
0x53: {  	_ =	shalt  }
0x54: {  	_ =	shalt  }
0x55: {  	_ =	shalt  }
0x56: {  	_ =	shalt  }
0x57: {  	_ =	shalt  }
0x58: {  	_ =	shalt  }
0x59: {  	_ =	shalt  }
0x5a: {  	_ =	shalt  }
0x5b: {  	_ =	shalt  }
0x5c: {  	_ =	shalt  }
0x5d: {  	_ =	shalt  }
0x5e: {  	_ =	shalt  }
0x5f: {  	_ =	shalt  }
0x60: {  	_ =	shalt  }
0x61: {  	_ =	shalt  }
0x62: {  	_ =	shalt  }
0x63: {  	_ =	shalt  }
0x64: {  	_ =	shalt  }
0x65: {  	_ =	shalt  }
0x66: {  	_ =	shalt  }
0x67: {  	_ =	shalt  }
0x68: {  	_ =	shalt  }
0x69: {  	_ =	shalt  }
0x6a: {  	_ =	shalt  }
0x6b: {  	_ =	shalt  }
0x6c: {  	_ =	shalt  }
0x6d: {  	_ =	shalt  }
0x6e: {  	_ =	shalt  }
0x6f: {  	_ =	shalt  }
0x70: {  	_ =	shalt  }
0x71: {  	_ =	shalt  }
0x72: {  	_ =	shalt  }
0x73: {  	_ =	shalt  }
0x74: {  	_ =	shalt  }
0x75: {  	_ =	shalt  }
0x76: {  	_ =	shalt  }
0x77: {  	_ =	shalt  }
0x78: {  	_ =	shalt  }
0x79: {  	_ =	shalt  }
0x7a: {  	_ =	shalt  }
0x7b: {  	_ =	shalt  }
0x7c: {  	_ =	shalt  }
0x7d: {  	_ =	shalt  }
0x7e: {  	_ =	shalt  }
0x7f: {  	_ =	shalt  }
0x80: {  	_ =	shalt  }
0x81: {  	_ =	shalt  }
0x82: {  	_ =	shalt  }
0x83: {  	_ =	shalt  }
0x84: {  	_ =	shalt  }
0x85: {  	_ =	shalt  }
0x86: {  	_ =	shalt  }
0x87: {  	_ =	shalt  }
.Lfunc_end0:
.L_simem_size_0:
called_computation.1_lowered:
.L_overlay_start_0:
0x88: {  	s2 =	sld [smem:$0x3FD9]  }
0x89: {  	s3 =	sld [smem:$0x3FFE];
	_ =	sdelay $0x1  }
0x8a: {  	s1 =	srdreg.scid  }
0x8b: {  	s0 =	sand.u32 $0x1, s1  }
0x8c: {  	s17 =	sshll.u32 s0, $0xA;
	s2 =	sadd.s32 s3, s2  }
0x8d: {  	s2 =	sadd.s32 s2, s17  }
0x8e: {  	[smem:$0x3FC4] =	sst s2  }
0x8f: {  	_ = 	snop  }
0x90: {  	s2 =	sld [smem:$0x3FD0];
	(tm) =	ssettm $0x1  }
0x91: {  	s18 =	sld [smem:$0x3FFB];
	_ =	sdelay $0x3  }
0x92: {  	_ =	strace s18  }
0x93: {  	s3 =	sld [smem:$0x3FFC];
	_ =	sdelay $0x3  }
0x94: {  	_ =	strace s3  }
0x95: {  	s3 =	sld [smem:$0x3FFD];
	_ =	sdelay $0x3  }
0x96: {  	_ =	strace s3  }
0x97: {  	_ =	strace $0x8FFFFFFF  }
0x98: {  	s19 =	sld [smem:$0x3FDB];
	_ =	sdelay $0x1  }
0x99: {  	s4 =	simm.s32 $_scs_section_size  }
0x9a: {  	s5 =	simm.s32 $_size__tile_overlayer_lowered;
	s6 =	simm.s32 $_tile_overlayer_lowered  }
0x9b: {  	s22 =	simm.s32 $0x1BFF;
	s21 =	sshll.u32 s6, $0x1;
	s3 =	sadd.s32 s4, s19  }
0x9c: {  	s7 =	simm.s32 $0x0;
	s20 =	sshll.u32 s5, $0x1;
	s5 =	sadd.s32 s21, s3  }
0x9d: {  	[timem:s7], [sflag:s22] =	dma.local [hbm:s5], s20  }
0x9e: {  	_ =	swait.ge [sflag:s22], s20  }
0x9f: {  	s4 =	ssub.s32 $0x0, s20;
	[sflag:s22] =	ssyncset.done $0x0  }
0xa0: {  	[sflag:s22] =	ssyncadd.s32 s4;
	_ =	sdelay $0x1  }
0xa1: {  	s23 =	simm.s32 $0x1B8B  }
0xa2: {  	_ =	swait.ge [sflag:s23], $0x1  }
0xa3: {  	[sflag:s23] =	ssyncset.done $0x0  }
0xa4: {  	s25 =	simm.s32 $0x1B8E;
	s24 =	sld [smem:$0x3FFE];
	[sflag:s23] =	ssyncadd.s32 $0xFFFFFFFF  }
0xa5: {  	s26 =	simm.s32 $execute0_lowered;
	[smem:$0x3FD2] =	sst s25  }
0xa6: {  	s5 =	sshll.u32 s26, $0x1;
	_ =	strace $0x80000046;
	[dreg:$0x1] =	wrdreg $0xFFFFFFFF  }
0xa7: {  	s28 =	simm.s32 $_size_execute0_lowered;
	s3 =	sadd.s32 s3, s5;
	[dreg:$0x0] =	wrdreg $0x0  }
0xa8: {  	s5 =	sshll.u32 s28, $0x1;
	[dreg:$0x2] =	wrdreg s3  }
0xa9: {  	[dreg:$0x3] =	wrdreg s5  }
0xaa: {  	[dreg:$0x4] =	wrdreg $0xC0  }
0xab: {  	_ =	task [dreg:s7], $0x5FFFF  }
0xac: {  	[dreg:$0x1] =	wrdreg $0xFFFFFFFF  }
0xad: {  	[dreg:$0x0] =	wrdreg $0x60  }
0xae: {  	[dreg:$0x2] =	wrdreg s2  }
0xaf: {  	[dreg:$0x3] =	wrdreg s24  }
0xb0: {  	[dreg:$0x4] =	wrdreg $0x64000  }
0xb1: {  	[dreg:$0x5] =	wrdreg $0x9  }
0xb2: {  	_ =	task.clear_ibuf [dreg:s7], $0x6FFFF;
	_ =	strace $0x90000046  }
0xb3: {  	s29 =	simm.s32 $0x9;
	_ =	strace $0x80000048  }
0xb4: {  	_ =	swait.ge [sflag:s29], $0x1  }
0xb5: {  	[sflag:s29] =	ssyncadd.s32 $0xFFFFFFFF  }
0xb6: {  	_ =	strace $0x90000048  }
0xb7: {  	_ =	sfence  }
0xb8: {  	s30 =	sld [smem:$0x0];
	_ =	sdelay $0x2  }
0xb9: {  	s31 =	sshll.u32 s1, $0xD;
	s1 =	sshrl.u32 s1, $0x2  }
0xba: {  	s3 =	sand.u32 $0x4000, s31;
	s1 =	sadd.s32 s1, s30  }
0xbb: {  	s0 =	sor.u32 s3, s0;
	s1 =	sshll.u32 s1, $0x11  }
0xbc: {  	s0 =	sor.u32 s1, s0  }
0xbd: {  	s0 =	sadd.s32 $0x8F2B, s0  }
0xbe: {  	[sflag:s0] =	ssyncadd.remote.s32 $0x1  }
0xbf: {  	_ =	sfence.sel $0xFFFF  }
0xc0: {  	[dreg:$0x0] =	wrdreg $0xFFFFFFFF;
	(pc) =	sbr.abs _section_cstart, $3  }
0xc1: {  	[dreg:$0x1] =	wrdreg $0xFFFFFFFF  }
0xc2: {  	_ =	task.clear_ibuf [dreg:s7], $0x2FFFF;
	_ =	strace $0x9FFFFFFF  }
0xc3: {  	(tm) =	ssettm $0x7FFFFFFF  }
tec
execute0_lowered:
.L_overlay_start_1:
0x0: {  	(tag) =	ssettag $0x1  }
0x1: {  	s4 =	rddreg [dreg:$0x0]  }
0x2: {  	s5 =	rddreg [dreg:$0x1]  }
0x3: {  	s1 =	rddreg [dreg:$0x2]  }
0x4: {  	s3 =	srdreg.scid;
	s6 =	stileid.u32  }
0x5: {  	s0 =	simm.s32 $0x0;
	s7 =	sand.u32 $0x1, s3;
	s8 =	smul.u32 $0x700000, s6  }
0x6: {  	[smem:$0x7FF] =	sst s0;
	s19 =	sadd.s32 $0x800, s5;
	s10 =	sshll.u32 s6, $0x1  }
0x7: {  	s13 =	sadd.s32 $0x2800, s5;
	s2 =	smul.u32 $0xE0000, s6;
	p0 =	sne.s32 s6, $0x0  }
0x8: {  	s9 =	smul.u32 $0x380000, s7;
	_ =	strace $0x80000047;
	[dreg:$0x19] =	wrdreg s19  }
0x9: {  	s11 =	ssub.s32 $0x2, s7;
	s10 =	sor.u32 s7, s10;
	s7 =	smul.u32 $0x70000, s7  }
0xa: {  	s20 =	sshrl.u32 s11, $0x1;
	s10 =	smul.u32 $0xC80, s10;
	s8 =	sadd.s32 s9, s8  }
0xb: {  	s6 =	sshrl.u32 @!p0 s1, $0x3;
	s5 =	ssub.s32 s11, s20;
	s12 =	sor.u32 $0x1A400, s8  }
0xc: {  	s4 =	sadd.s32 s4, s10;
	s22 =	sor.u32 $0x18800, s8;
	s24 =	sor.u32 $0x16C00, s8  }
0xd: {  	s25 =	sor.u32 $0x15000, s8;
	s30 =	sor.u32 $0x13400, s8;
	s0 =	sor.u32 $0x11800, s8  }
0xe: {  	s11 =	sor.u32 $0xC400, s8;
	s14 =	sor.u32 $0xA800, s8;
	s18 =	sor.u32 $0x8C00, s8  }
0xf: {  	s20 =	sor.u32 $0x7000, s8;
	s8 =	sor.u32 $0x5400, s8;
	s5 =	smax.u32 s5, $0x1  }
0x10: {  	s21 =	sshrl.u32 s12, $0x3;
	s10 =	sshrl.u32 s24, $0x3;
	s24 =	simm.s32 $0x8CA0  }
0x11: {  	s28 =	sshrl.u32 s25, $0x3;
	s25 =	simm.s32 $0x9920;
	[dreg:$0x11] =	wrdreg s24  }
0x12: {  	s31 =	sshrl.u32 s30, $0x3;
	s30 =	simm.s32 $0xCB20;
	[dreg:$0x12] =	wrdreg s25  }
0x13: {  	s16 =	sshrl.u32 s14, $0x3;
	s14 =	simm.s32 $0xE420;
	[dreg:$0x16] =	wrdreg s30  }
0x14: {  	s23 =	sshrl.u32 s22, $0x3;
	s9 =	sadd.s32 s21, s13;
	[dreg:$0x17] =	wrdreg s14  }
0x15: {  	s12 =	sshrl.u32 s11, $0x3;
	s26 =	sadd.s32 s10, s13;
	[dreg:$0x4] =	wrdreg s9  }
0x16: {  	s19 =	sshrl.u32 s18, $0x3;
	s29 =	sadd.s32 s28, s13;
	[dreg:$0x6] =	wrdreg s26  }
0x17: {  	s8 =	sshrl.u32 s8, $0x3;
	s15 =	sadd.s32 s12, s13;
	[dreg:$0x7] =	wrdreg s29  }
0x18: {  	s11 =	simm.s32 $0x40;
	s17 =	sadd.s32 s16, s13;
	[dreg:$0xb] =	wrdreg s15  }
0x19: {  	s18 =	simm.s32 $0x12F20;
	s22 =	sadd.s32 s8, s13;
	[dreg:$0xc] =	wrdreg s17  }
0x1a: {  	s10 =	sshrl.u32 s0, $0x3;
	s28 =	simm.s32 $0xB220;
	[dreg:$0xf] =	wrdreg s22  }
0x1b: {  	s8 =	simm.s32 $0x190;
	s9 =	sadd.s32 s23, s13;
	[dreg:$0x14] =	wrdreg s28  }
0x1c: {  	s12 =	simm.s32 $0x80;
	s3 =	sadd.s32 s10, s13;
	[dreg:$0x5] =	wrdreg s9  }
0x1d: {  	s14 =	simm.s32 $0xFD20;
	s23 =	simm.s32 $0x8020;
	[dreg:$0x9] =	wrdreg s3  }
0x1e: {  	s16 =	simm.s32 $0x11620;
	s26 =	simm.s32 $0xA5A0;
	[dreg:$0x10] =	wrdreg s23  }
0x1f: {  	s10 =	sadd.s32 s2, s13;
	s29 =	simm.s32 $0xBEA0;
	[dreg:$0x13] =	wrdreg s26  }
0x20: {  	s15 =	simm.s32 $0x109A0;
	s9 =	sadd.s32 s31, s13;
	[dreg:$0x15] =	wrdreg s29  }
0x21: {  	s17 =	simm.s32 $0x122A0;
	s7 =	sadd.s32 s7, s10;
	[dreg:$0x8] =	wrdreg s9  }
0x22: {  	s10 =	simm.s32 $0x1;
	s31 =	simm.s32 $0xF0A0;
	[dreg:$0xa] =	wrdreg s7  }
0x23: {  	s7 =	sadd.s32 s19, s13;
	s9 =	sshrl.u32 s20, $0x3;
	[dreg:$0x18] =	wrdreg s31  }
0x24: {  	s19 =	simm.s32 $0x2;
	s20 =	simm.s32 $0x3;
	[dreg:$0xd] =	wrdreg s7  }
0x25: {  	s21 =	sadd.s32 s9, s13;
	s7 =	simm.s32 $0x4;
	s9 =	simm.s32 $0x73A0  }
0x26: {  	s13 =	simm.s32 $0xD7A0;
	[dreg:$0xe] =	wrdreg s21;
	s21 =	simm.s32 $0x0  }
.LBB2_1:
0x27: {  	s22 =	simm.s32 @!p0 $0x1C04;
	s0 =	rddreg [dreg:$0x19]  }
0x28: {  	[spmem:s6], [sflag:s22] =	dma.local @!p0 [hbm:s0], $0x1F40  }
0x29: {  	s22 =	simm.s32 @!p0 $0x4  }
0x2a: {  	_ =	swait.ge @!p0 [sflag:s22], $0x1F40  }
0x2b: {  	[sflag:s22] =	ssyncset.done @!p0 $0x0  }
0x2c: {  	s31 =	simm.s32 $0x0;
	[sflag:s22] =	ssyncadd.s32 @!p0 $0xFFFFE0C0  }
0x2d: {  	[tilespmem:s31], [sflag:$0x4] =	stream.linear.gather [hbm4b:s4+s31], $0x6400, $0x38;
	[tilespmem:$0x13BA0] =	vst v63  }
0x2e: {  	_ =	swait.ge [sflag:s7], $0x6400  }
0x2f: {  	[sflag:s7] =	ssyncset.done $0x0  }
0x30: {  	p1 =	por $0x1, $0x1;
	[sflag:s7] =	ssyncadd.s32 $0xFFFF9C00  }
0x31: {  	s22 =	simm.s32 @!p1 $0x2;
	[bflag:$0x0] =	sbarrier.arrive $0xFFFF  }
0x32: {  	_ =	swait.ge @!p1 [sflag:s22], $0xC80  }
0x33: {  	[sflag:s22] =	ssyncset.done @!p1 $0x0  }
0x34: {  	[sflag:s22] =	ssyncadd.s32 @!p1 $0xFFFFF380  }
0x35: {  	_ =	swait.ge @!p1 [sflag:s22], $0xC80  }
0x36: {  	[sflag:s22] =	ssyncset.done @!p1 $0x0  }
0x37: {  	[sflag:s22] =	ssyncadd.s32 @!p1 $0xFFFFF380  }
0x38: {  	_ =	swait.ge @!p1 [sflag:s22], $0xC80  }
0x39: {  	[sflag:s22] =	ssyncset.done @!p1 $0x0  }
0x3a: {  	[sflag:s22] =	ssyncadd.s32 @!p1 $0xFFFFF380  }
0x3b: {  	_ =	swait.ge @!p1 [sflag:s22], $0xC80  }
0x3c: {  	[sflag:s22] =	ssyncset.done @!p1 $0x0  }
0x3d: {  	[sflag:s22] =	ssyncadd.s32 @!p1 $0xFFFFF380  }
0x3e: {  	_ =	swait.ge @!p1 [sflag:s22], $0xC80  }
0x3f: {  	[sflag:s22] =	ssyncset.done @!p1 $0x0  }
0x40: {  	[sflag:s22] =	ssyncadd.s32 @!p1 $0xFFFFF380  }
0x41: {  	_ =	swait.ge @!p1 [sflag:s22], $0xC80  }
0x42: {  	[sflag:s22] =	ssyncset.done @!p1 $0x0  }
0x43: {  	[sflag:s22] =	ssyncadd.s32 @!p1 $0xFFFFF380  }
0x44: {  	_ =	swait.ge @!p1 [sflag:s22], $0xC80  }
0x45: {  	[sflag:s22] =	ssyncset.done @!p1 $0x0  }
0x46: {  	[sflag:s22] =	ssyncadd.s32 @!p1 $0xFFFFF380  }
0x47: {  	_ =	swait.ge @!p1 [sflag:s22], $0xC80  }
0x48: {  	[sflag:s22] =	ssyncset.done @!p1 $0x0  }
0x49: {  	s0 =	simm.s32 $0x0;
	[sflag:s22] =	ssyncadd.s32 @!p1 $0xFFFFF380  }
0x4a: {  	[tilespmem:s9], [sflag:$0x1] =	stream.indirect.gather [spmem:s1], $0x40, s0, s8, $0xb8;
	[tilespmem:$0x13BA0] =	vst v63  }
0x4b: {  	_ =	swait.ge [sflag:s10], $0x6400  }
0x4c: {  	s22 =	rddreg [dreg:$0xb]  }
0x4d: {  	s23 =	rddreg [dreg:$0xc]  }
0x4e: {  	s24 =	rddreg [dreg:$0xe]  }
0x4f: {  	s25 =	rddreg [dreg:$0xa]  }
0x50: {  	s26 =	rddreg [dreg:$0xd];
	[sflag:s10] =	ssyncset.done $0x0  }
0x51: {  	s28 =	rddreg [dreg:$0xf];
	[sflag:s10] =	ssyncadd.s32 $0xFFFF9C00;
	s25 =	sadd.s32 $0x0, s25  }
0x52: {  	[hbm4b:s25+s11] =	stream.strided.scatter [tilespmem:s9], [sflag:$0x2], $0xC80, s12, s11, $0x38;
	[tilespmem:$0x13BA0] =	vst v63  }
0x53: {  	s29 =	rddreg [dreg:$0x10];
	s30 =	sadd.s32 $0x380, s25  }
0x54: {  	[hbm4b:s30+s11] =	stream.strided.scatter [tilespmem:s29], [sflag:$0x2], $0xC80, s12, s11, $0x38;
	[tilespmem:$0x13BA0] =	vst v63  }
0x55: {  	s31 =	rddreg [dreg:$0x11];
	s2 =	sadd.s32 $0x700, s25  }
0x56: {  	[hbm4b:s2+s11] =	stream.strided.scatter [tilespmem:s31], [sflag:$0x2], $0xC80, s12, s11, $0x38;
	[tilespmem:$0x13BA0] =	vst v63  }
0x57: {  	s3 =	rddreg [dreg:$0x12];
	s28 =	sadd.s32 $0x0, s28  }
0x58: {  	[hbm4b:s28+s11] =	stream.strided.scatter [tilespmem:s3], [sflag:$0x2], $0xC80, s12, s11, $0x38;
	[tilespmem:$0x13BA0] =	vst v63  }
0x59: {  	s24 =	sadd.s32 $0x0, s24;
	s31 =	rddreg [dreg:$0x13]  }
0x5a: {  	[hbm4b:s24+s11] =	stream.strided.scatter [tilespmem:s31], [sflag:$0x2], $0xC80, s12, s11, $0x38;
	[tilespmem:$0x13BA0] =	vst v63  }
0x5b: {  	s0 =	sadd.s32 $0x0, s26;
	s28 =	rddreg [dreg:$0x14]  }
0x5c: {  	[hbm4b:s0+s11] =	stream.strided.scatter [tilespmem:s28], [sflag:$0x2], $0xC80, s12, s11, $0x38;
	[tilespmem:$0x13BA0] =	vst v63  }
0x5d: {  	s23 =	sadd.s32 $0x0, s23;
	s2 =	rddreg [dreg:$0x15]  }
0x5e: {  	[hbm4b:s23+s11] =	stream.strided.scatter [tilespmem:s2], [sflag:$0x2], $0xC80, s12, s11, $0x38;
	[tilespmem:$0x13BA0] =	vst v63  }
0x5f: {  	s22 =	sadd.s32 $0x0, s22;
	s3 =	rddreg [dreg:$0x16];
	s23 =	simm.s32 @!p1 $0x3  }
0x60: {  	[hbm4b:s22+s11] =	stream.strided.scatter [tilespmem:s3], [sflag:$0x2], $0xC80, s12, s11, $0x38;
	[tilespmem:$0x13BA0] =	vst v63  }
0x61: {  	_ =	swait.ge @!p1 [sflag:s23], $0xC80  }
0x62: {  	[sflag:s23] =	ssyncset.done @!p1 $0x0  }
0x63: {  	[sflag:s23] =	ssyncadd.s32 @!p1 $0xFFFFF380  }
0x64: {  	_ =	swait.ge @!p1 [sflag:s23], $0xC80  }
0x65: {  	[sflag:s23] =	ssyncset.done @!p1 $0x0  }
0x66: {  	[sflag:s23] =	ssyncadd.s32 @!p1 $0xFFFFF380  }
0x67: {  	_ =	swait.ge @!p1 [sflag:s23], $0xC80  }
0x68: {  	[sflag:s23] =	ssyncset.done @!p1 $0x0  }
0x69: {  	[sflag:s23] =	ssyncadd.s32 @!p1 $0xFFFFF380  }
0x6a: {  	_ =	swait.ge @!p1 [sflag:s23], $0xC80  }
0x6b: {  	[sflag:s23] =	ssyncset.done @!p1 $0x0  }
0x6c: {  	[sflag:s23] =	ssyncadd.s32 @!p1 $0xFFFFF380  }
0x6d: {  	_ =	swait.ge @!p1 [sflag:s23], $0xC80  }
0x6e: {  	[sflag:s23] =	ssyncset.done @!p1 $0x0  }
0x6f: {  	[sflag:s23] =	ssyncadd.s32 @!p1 $0xFFFFF380  }
0x70: {  	_ =	swait.ge @!p1 [sflag:s23], $0xC80  }
0x71: {  	[sflag:s23] =	ssyncset.done @!p1 $0x0  }
0x72: {  	[sflag:s23] =	ssyncadd.s32 @!p1 $0xFFFFF380  }
0x73: {  	_ =	swait.ge @!p1 [sflag:s23], $0xC80  }
0x74: {  	[sflag:s23] =	ssyncset.done @!p1 $0x0  }
0x75: {  	[sflag:s23] =	ssyncadd.s32 @!p1 $0xFFFFF380  }
0x76: {  	_ =	swait.ge @!p1 [sflag:s23], $0xC80  }
0x77: {  	[sflag:s23] =	ssyncset.done @!p1 $0x0  }
0x78: {  	[sflag:s23] =	ssyncadd.s32 @!p1 $0xFFFFF380  }
0x79: {  	[tilespmem:s13], [sflag:$0x1] =	stream.indirect.gather [spmem:s1], $0x40, s8, s8, $0xb8;
	[tilespmem:$0x13BA0] =	vst v63  }
0x7a: {  	_ =	swait.ge [sflag:s10], $0x6400  }
0x7b: {  	s29 =	rddreg [dreg:$0x18]  }
0x7c: {  	s30 =	rddreg [dreg:$0x17]  }
0x7d: {  	[sflag:s10] =	ssyncset.done $0x0;
	s0 =	rddreg [dreg:$0x9]  }
0x7e: {  	s31 =	sadd.s32 $0x1C00, s25;
	s3 =	rddreg [dreg:$0x8];
	[sflag:s10] =	ssyncadd.s32 $0xFFFF9C00  }
0x7f: {  	[hbm4b:s31+s11] =	stream.strided.scatter [tilespmem:s13], [sflag:$0x3], $0xC80, s12, s11, $0x38;
	[tilespmem:$0x13BA0] =	vst v63  }
0x80: {  	s2 =	sadd.s32 $0x1F80, s25;
	s22 =	simm.s32 $0x3800;
	s26 =	rddreg [dreg:$0x7]  }
0x81: {  	[hbm4b:s2+s11] =	stream.strided.scatter [tilespmem:s30], [sflag:$0x3], $0xC80, s12, s11, $0x38;
	[tilespmem:$0x13BA0] =	vst v63  }
0x82: {  	s23 =	simm.s32 $0x4B0;
	s25 =	rddreg [dreg:$0x4];
	s24 =	sadd.s32 $0x0, s0  }
0x83: {  	[hbm4b:s24+s11] =	stream.strided.scatter [tilespmem:s29], [sflag:$0x3], $0xC80, s12, s11, $0x38;
	[tilespmem:$0x13BA0] =	vst v63  }
0x84: {  	s31 =	sadd.s32 $0x0, s26;
	s30 =	rddreg [dreg:$0x6];
	s29 =	sadd.s32 $0x0, s3  }
0x85: {  	[hbm4b:s29+s11] =	stream.strided.scatter [tilespmem:s14], [sflag:$0x3], $0xC80, s12, s11, $0x38;
	[tilespmem:$0x13BA0] =	vst v63  }
0x86: {  	s26 =	rddreg [dreg:$0x5];
	s28 =	sadd.s32 $0x0, s30;
	s24 =	simm.s32 $0x0  }
0x87: {  	[hbm4b:s31+s11] =	stream.strided.scatter [tilespmem:s15], [sflag:$0x3], $0xC80, s12, s11, $0x38;
	[tilespmem:$0x13BA0] =	vst v63  }
.LBB2_2:
0x88: {  	[hbm4b:s28+s11] =	stream.strided.scatter [tilespmem:s16], [sflag:$0x3], $0xC80, s12, s11, $0x38;
	[tilespmem:$0x13BA0] =	vst v63  }
0x89: {  	s28 =	smov.u32 s22  }
0x8a: {  	s26 =	sadd.s32 s24, s26;
	p2 =	seq.s32 s28, $0x0  }
0x8b: {  	[hbm4b:s26+s11] =	stream.strided.scatter [tilespmem:s17], [sflag:$0x3], $0xC80, s12, s11, $0x38;
	[tilespmem:$0x13BA0] =	vst v63  }
0x8c: {  	s31 =	sadd.s32 s24, s25;
	s25 =	simm.s32 @!p2 $0x2  }
0x8d: {  	[hbm4b:s31+s11] =	stream.strided.scatter [tilespmem:s18], [sflag:$0x3], $0xC80, s12, s11, $0x38;
	[tilespmem:$0x13BA0] =	vst v63  }
0x8e: {  	_ =	swait.ge @!p2 [sflag:s25], $0xC80  }
0x8f: {  	[sflag:s25] =	ssyncset.done @!p2 $0x0  }
0x90: {  	[sflag:s25] =	ssyncadd.s32 @!p2 $0xFFFFF380  }
0x91: {  	_ =	swait.ge @!p2 [sflag:s25], $0xC80  }
0x92: {  	[sflag:s25] =	ssyncset.done @!p2 $0x0  }
0x93: {  	[sflag:s25] =	ssyncadd.s32 @!p2 $0xFFFFF380  }
0x94: {  	_ =	swait.ge @!p2 [sflag:s25], $0xC80  }
0x95: {  	[sflag:s25] =	ssyncset.done @!p2 $0x0  }
0x96: {  	[sflag:s25] =	ssyncadd.s32 @!p2 $0xFFFFF380  }
0x97: {  	_ =	swait.ge @!p2 [sflag:s25], $0xC80  }
0x98: {  	[sflag:s25] =	ssyncset.done @!p2 $0x0  }
0x99: {  	[sflag:s25] =	ssyncadd.s32 @!p2 $0xFFFFF380  }
0x9a: {  	_ =	swait.ge @!p2 [sflag:s25], $0xC80  }
0x9b: {  	[sflag:s25] =	ssyncset.done @!p2 $0x0  }
0x9c: {  	[sflag:s25] =	ssyncadd.s32 @!p2 $0xFFFFF380  }
0x9d: {  	_ =	swait.ge @!p2 [sflag:s25], $0xC80  }
0x9e: {  	[sflag:s25] =	ssyncset.done @!p2 $0x0  }
0x9f: {  	[sflag:s25] =	ssyncadd.s32 @!p2 $0xFFFFF380  }
0xa0: {  	_ =	swait.ge @!p2 [sflag:s25], $0xC80  }
0xa1: {  	[sflag:s25] =	ssyncset.done @!p2 $0x0  }
0xa2: {  	[sflag:s25] =	ssyncadd.s32 @!p2 $0xFFFFF380  }
0xa3: {  	_ =	swait.ge @!p2 [sflag:s25], $0xC80  }
0xa4: {  	[sflag:s25] =	ssyncset.done @!p2 $0x0  }
0xa5: {  	s0 =	sadd.s32 $0xFFFFFE70, s23;
	[sflag:s25] =	ssyncadd.s32 @!p2 $0xFFFFF380  }
0xa6: {  	[tilespmem:s9], [sflag:$0x1] =	stream.indirect.gather [spmem:s1], $0x40, s0, s8, $0xb8;
	[tilespmem:$0x13BA0] =	vst v63  }
0xa7: {  	_ =	swait.ge [sflag:s10], $0x6400  }
0xa8: {  	s26 =	rddreg [dreg:$0xb]  }
0xa9: {  	s24 =	smov.u32 s28;
	s28 =	rddreg [dreg:$0xc]  }
0xaa: {  	s29 =	rddreg [dreg:$0xe]  }
0xab: {  	s2 =	rddreg [dreg:$0xa]  }
0xac: {  	[sflag:s10] =	ssyncset.done $0x0;
	s30 =	rddreg [dreg:$0xd]  }
0xad: {  	s31 =	rddreg [dreg:$0xf];
	[sflag:s10] =	ssyncadd.s32 $0xFFFF9C00;
	s25 =	sadd.s32 s24, s2  }
0xae: {  	[hbm4b:s25+s11] =	stream.strided.scatter [tilespmem:s9], [sflag:$0x2], $0xC80, s12, s11, $0x38;
	[tilespmem:$0x13BA0] =	vst v63  }
0xaf: {  	s0 =	rddreg [dreg:$0x10];
	s2 =	sadd.s32 $0x380, s25  }
0xb0: {  	[hbm4b:s2+s11] =	stream.strided.scatter [tilespmem:s0], [sflag:$0x2], $0xC80, s12, s11, $0x38;
	[tilespmem:$0x13BA0] =	vst v63  }
0xb1: {  	s3 =	rddreg [dreg:$0x11];
	s0 =	sadd.s32 $0x700, s25  }
0xb2: {  	[hbm4b:s0+s11] =	stream.strided.scatter [tilespmem:s3], [sflag:$0x2], $0xC80, s12, s11, $0x38;
	[tilespmem:$0x13BA0] =	vst v63  }
0xb3: {  	s2 =	rddreg [dreg:$0x12];
	s3 =	sadd.s32 s24, s31  }
0xb4: {  	[hbm4b:s3+s11] =	stream.strided.scatter [tilespmem:s2], [sflag:$0x2], $0xC80, s12, s11, $0x38;
	[tilespmem:$0x13BA0] =	vst v63  }
0xb5: {  	s31 =	rddreg [dreg:$0x13];
	s2 =	sadd.s32 s24, s29  }
0xb6: {  	[hbm4b:s2+s11] =	stream.strided.scatter [tilespmem:s31], [sflag:$0x2], $0xC80, s12, s11, $0x38;
	[tilespmem:$0x13BA0] =	vst v63  }
0xb7: {  	s30 =	sadd.s32 s24, s30;
	s29 =	rddreg [dreg:$0x14]  }
0xb8: {  	[hbm4b:s30+s11] =	stream.strided.scatter [tilespmem:s29], [sflag:$0x2], $0xC80, s12, s11, $0x38;
	[tilespmem:$0x13BA0] =	vst v63  }
0xb9: {  	s31 =	rddreg [dreg:$0x15];
	s29 =	sadd.s32 s24, s28  }
0xba: {  	[hbm4b:s29+s11] =	stream.strided.scatter [tilespmem:s31], [sflag:$0x2], $0xC80, s12, s11, $0x38;
	[tilespmem:$0x13BA0] =	vst v63  }
0xbb: {  	s3 =	simm.s32 @!p2 $0x3;
	s30 =	rddreg [dreg:$0x16];
	s31 =	sadd.s32 s24, s26  }
0xbc: {  	[hbm4b:s31+s11] =	stream.strided.scatter [tilespmem:s30], [sflag:$0x2], $0xC80, s12, s11, $0x38;
	[tilespmem:$0x13BA0] =	vst v63  }
0xbd: {  	_ =	swait.ge @!p2 [sflag:s3], $0xC80  }
0xbe: {  	[sflag:s3] =	ssyncset.done @!p2 $0x0  }
0xbf: {  	[sflag:s3] =	ssyncadd.s32 @!p2 $0xFFFFF380  }
0xc0: {  	_ =	swait.ge @!p2 [sflag:s3], $0xC80  }
0xc1: {  	[sflag:s3] =	ssyncset.done @!p2 $0x0  }
0xc2: {  	[sflag:s3] =	ssyncadd.s32 @!p2 $0xFFFFF380  }
0xc3: {  	_ =	swait.ge @!p2 [sflag:s3], $0xC80  }
0xc4: {  	[sflag:s3] =	ssyncset.done @!p2 $0x0  }
0xc5: {  	[sflag:s3] =	ssyncadd.s32 @!p2 $0xFFFFF380  }
0xc6: {  	_ =	swait.ge @!p2 [sflag:s3], $0xC80  }
0xc7: {  	[sflag:s3] =	ssyncset.done @!p2 $0x0  }
0xc8: {  	[sflag:s3] =	ssyncadd.s32 @!p2 $0xFFFFF380  }
0xc9: {  	_ =	swait.ge @!p2 [sflag:s3], $0xC80  }
0xca: {  	[sflag:s3] =	ssyncset.done @!p2 $0x0  }
0xcb: {  	[sflag:s3] =	ssyncadd.s32 @!p2 $0xFFFFF380  }
0xcc: {  	_ =	swait.ge @!p2 [sflag:s3], $0xC80  }
0xcd: {  	[sflag:s3] =	ssyncset.done @!p2 $0x0  }
0xce: {  	[sflag:s3] =	ssyncadd.s32 @!p2 $0xFFFFF380  }
0xcf: {  	_ =	swait.ge @!p2 [sflag:s3], $0xC80  }
0xd0: {  	[sflag:s3] =	ssyncset.done @!p2 $0x0  }
0xd1: {  	[sflag:s3] =	ssyncadd.s32 @!p2 $0xFFFFF380  }
0xd2: {  	_ =	swait.ge @!p2 [sflag:s3], $0xC80  }
0xd3: {  	[sflag:s3] =	ssyncset.done @!p2 $0x0  }
0xd4: {  	[sflag:s3] =	ssyncadd.s32 @!p2 $0xFFFFF380  }
0xd5: {  	[tilespmem:s13], [sflag:$0x1] =	stream.indirect.gather [spmem:s1], $0x40, s23, s8, $0xb8;
	[tilespmem:$0x13BA0] =	vst v63  }
0xd6: {  	_ =	swait.ge [sflag:s10], $0x6400  }
0xd7: {  	s0 =	rddreg [dreg:$0x18]  }
0xd8: {  	[sflag:s10] =	ssyncset.done $0x0;
	s29 =	rddreg [dreg:$0x17]  }
0xd9: {  	s26 =	sadd.s32 $0x1C00, s25;
	s30 =	rddreg [dreg:$0x9];
	[sflag:s10] =	ssyncadd.s32 $0xFFFF9C00  }
0xda: {  	[hbm4b:s26+s11] =	stream.strided.scatter [tilespmem:s13], [sflag:$0x3], $0xC80, s12, s11, $0x38;
	[tilespmem:$0x13BA0] =	vst v63  }
0xdb: {  	s22 =	sadd.s32 $0x3800, s22;
	s25 =	sadd.s32 $0x1F80, s25;
	s31 =	rddreg [dreg:$0x8]  }
0xdc: {  	[hbm4b:s25+s11] =	stream.strided.scatter [tilespmem:s29], [sflag:$0x3], $0xC80, s12, s11, $0x38;
	[tilespmem:$0x13BA0] =	vst v63  }
0xdd: {  	p1 =	sne.s32 s22, $0x70000;
	s26 =	rddreg [dreg:$0x7];
	s25 =	sadd.s32 s24, s30  }
0xde: {  	[hbm4b:s25+s11] =	stream.strided.scatter [tilespmem:s0], [sflag:$0x3], $0xC80, s12, s11, $0x38;
	[tilespmem:$0x13BA0] =	vst v63  }
.Ltmp0:
0xdf: {  	s30 =	rddreg [dreg:$0x6];
	(pc) =	sbr.rel @p1 .LBB2_2-.Ltmp0, $4  }
0xe0: {  	s29 =	sadd.s32 s24, s31;
	s31 =	sadd.s32 s24, s26;
	s26 =	rddreg [dreg:$0x5]  }
0xe1: {  	[hbm4b:s29+s11] =	stream.strided.scatter [tilespmem:s14], [sflag:$0x3], $0xC80, s12, s11, $0x38;
	[tilespmem:$0x13BA0] =	vst v63  }
0xe2: {  	s23 =	sadd.s32 $0x320, s23;
	s28 =	sadd.s32 s24, s30;
	s25 =	rddreg [dreg:$0x4]  }
0xe3: {  	[hbm4b:s31+s11] =	stream.strided.scatter [tilespmem:s15], [sflag:$0x3], $0xC80, s12, s11, $0x38;
	[tilespmem:$0x13BA0] =	vst v63  }
0xe4: {  	[hbm4b:s28+s11] =	stream.strided.scatter [tilespmem:s16], [sflag:$0x3], $0xC80, s12, s11, $0x38;
	[tilespmem:$0x13BA0] =	vst v63  }
0xe5: {  	s0 =	sadd.s32 s24, s26  }
0xe6: {  	[hbm4b:s0+s11] =	stream.strided.scatter [tilespmem:s17], [sflag:$0x3], $0xC80, s12, s11, $0x38;
	[tilespmem:$0x13BA0] =	vst v63  }
0xe7: {  	s31 =	sadd.s32 s24, s25  }
0xe8: {  	[hbm4b:s31+s11] =	stream.strided.scatter [tilespmem:s18], [sflag:$0x3], $0xC80, s12, s11, $0x38;
	[tilespmem:$0x13BA0] =	vst v63  }
0xe9: {  	_ =	swait.ge [sflag:s19], $0xC80  }
0xea: {  	[sflag:s19] =	ssyncset.done $0x0  }
0xeb: {  	[sflag:s19] =	ssyncadd.s32 $0xFFFFF380  }
0xec: {  	_ =	swait.ge [sflag:s19], $0xC80  }
0xed: {  	[sflag:s19] =	ssyncset.done $0x0  }
0xee: {  	[sflag:s19] =	ssyncadd.s32 $0xFFFFF380  }
0xef: {  	_ =	swait.ge [sflag:s19], $0xC80  }
0xf0: {  	[sflag:s19] =	ssyncset.done $0x0  }
0xf1: {  	[sflag:s19] =	ssyncadd.s32 $0xFFFFF380  }
0xf2: {  	_ =	swait.ge [sflag:s19], $0xC80  }
0xf3: {  	[sflag:s19] =	ssyncset.done $0x0  }
0xf4: {  	[sflag:s19] =	ssyncadd.s32 $0xFFFFF380  }
0xf5: {  	_ =	swait.ge [sflag:s19], $0xC80  }
0xf6: {  	[sflag:s19] =	ssyncset.done $0x0  }
0xf7: {  	[sflag:s19] =	ssyncadd.s32 $0xFFFFF380  }
0xf8: {  	_ =	swait.ge [sflag:s19], $0xC80  }
0xf9: {  	[sflag:s19] =	ssyncset.done $0x0  }
0xfa: {  	[sflag:s19] =	ssyncadd.s32 $0xFFFFF380  }
0xfb: {  	_ =	swait.ge [sflag:s19], $0xC80  }
0xfc: {  	[sflag:s19] =	ssyncset.done $0x0  }
0xfd: {  	[sflag:s19] =	ssyncadd.s32 $0xFFFFF380  }
0xfe: {  	_ =	swait.ge [sflag:s19], $0xC80  }
0xff: {  	[sflag:s19] =	ssyncset.done $0x0  }
0x100: {  	[sflag:s19] =	ssyncadd.s32 $0xFFFFF380  }
0x101: {  	_ =	swait.ge [sflag:s20], $0xC80  }
0x102: {  	[sflag:s20] =	ssyncset.done $0x0  }
0x103: {  	[sflag:s20] =	ssyncadd.s32 $0xFFFFF380  }
0x104: {  	_ =	swait.ge [sflag:s20], $0xC80  }
0x105: {  	[sflag:s20] =	ssyncset.done $0x0  }
0x106: {  	[sflag:s20] =	ssyncadd.s32 $0xFFFFF380  }
0x107: {  	_ =	swait.ge [sflag:s20], $0xC80  }
0x108: {  	[sflag:s20] =	ssyncset.done $0x0  }
0x109: {  	[sflag:s20] =	ssyncadd.s32 $0xFFFFF380  }
0x10a: {  	_ =	swait.ge [sflag:s20], $0xC80  }
0x10b: {  	[sflag:s20] =	ssyncset.done $0x0  }
0x10c: {  	[sflag:s20] =	ssyncadd.s32 $0xFFFFF380  }
0x10d: {  	_ =	swait.ge [sflag:s20], $0xC80  }
0x10e: {  	[sflag:s20] =	ssyncset.done $0x0  }
0x10f: {  	[sflag:s20] =	ssyncadd.s32 $0xFFFFF380  }
0x110: {  	_ =	swait.ge [sflag:s20], $0xC80  }
0x111: {  	[sflag:s20] =	ssyncset.done $0x0  }
0x112: {  	s21 =	sadd.s32 $0x1, s21;
	[sflag:s20] =	ssyncadd.s32 $0xFFFFF380  }
0x113: {  	p1 =	sne.s32 s21, s5;
	_ =	swait.ge [sflag:s20], $0xC80  }
.Ltmp1:
0x114: {  	[sflag:s20] =	ssyncset.done $0x0;
	(pc) =	sbr.rel @p1 .LBB2_1-.Ltmp1, $4  }
0x115: {  	[sflag:s20] =	ssyncadd.s32 $0xFFFFF380  }
0x116: {  	_ =	swait.ge [sflag:s20], $0xC80  }
0x117: {  	[sflag:s20] =	ssyncset.done $0x0  }
0x118: {  	[sflag:s20] =	ssyncadd.s32 $0xFFFFF380  }
0x119: {  	_ =	sfence.sel $0x180000  }
0x11a: {  	[bflag:$0x0] =	sbarrier.arrive $0xFFFF  }
0x11b: {  	_ =	strace $0x90000047  }
0x11c: {  	[bflag:$0x2] =	sbarrier.arrive $0xFFFF  }
0x11d: {  	s0 =	rddreg [dreg:$0x3]  }
0x11e: {  	s0 =	sadd.s32 @!p0 $0x100000, s0  }
0x11f: {  	[sflag:s0] =	ssyncadd.tile.s32 @!p0 $0x1;
	_ =	shalt  }
.Lfunc_end2:
_tile_overlayer_lowered:
.L_overlay_start_2:
0x120: {  	(tag) =	ssettag $0x2  }
0x121: {  	s0 =	rddreg [dreg:$0x0];
	s2 =	stileid.u32  }
0x122: {  	s1 =	rddreg [dreg:$0x1];
	p0 =	sne.s32 s2, $0x0  }
0x123: {  	s3 =	rddreg [dreg:$0x2];
	[bflag:$0x3] =	sbarrier.arrive $0xFFFF;
	s2 =	simm.s32 @!p0 $0x1C04  }
0x124: {  	[timem:s3], [sflag:s2] =	dma.local @!p0 [hbm:s0], s1  }
0x125: {  	s0 =	simm.s32 @!p0 $0x4  }
0x126: {  	_ =	swait.ge @!p0 [sflag:s0], s1  }
0x127: {  	s1 =	ssub.s32 @!p0 $0x0, s1;
	[sflag:s0] =	ssyncset.done @!p0 $0x0  }
0x128: {  	[sflag:s0] =	ssyncadd.s32 @!p0 s1  }
0x129: {  	[bflag:$0x3] =	sbarrier.arrive $0xFFFF  }
0x12a: {  	_ =	shalt  }

// kernel: sparse-core-data-format-call.cloned.1.call-start
scs
called_computation_lowered:
.L_overlay_start_0:
0x0: {  	s2 =	sld [smem:$0x3FD9]  }
0x1: {  	s3 =	sld [smem:$0x3FFE];
	_ =	sdelay $0x1  }
0x2: {  	s1 =	srdreg.scid  }
0x3: {  	s0 =	sand.u32 $0x1, s1  }
0x4: {  	s18 =	sshll.u32 s0, $0xA;
	s2 =	sadd.s32 s3, s2  }
0x5: {  	s2 =	sadd.s32 s2, s18  }
0x6: {  	[smem:$0x3FC4] =	sst s2  }
0x7: {  	_ = 	snop  }
0x8: {  	s2 =	sld [smem:$0x3FD0];
	(tm) =	ssettm $0x1  }
0x9: {  	s19 =	sld [smem:$0x3FFB];
	_ =	sdelay $0x3  }
0xa: {  	_ =	strace s19  }
0xb: {  	s3 =	sld [smem:$0x3FFC];
	_ =	sdelay $0x3  }
0xc: {  	_ =	strace s3  }
0xd: {  	s3 =	sld [smem:$0x3FFD];
	_ =	sdelay $0x3  }
0xe: {  	_ =	strace s3  }
0xf: {  	_ =	strace $0x8FFFFFFF  }
0x10: {  	s20 =	sld [smem:$0x3FDB];
	_ =	sdelay $0x1  }
0x11: {  	s4 =	simm.s32 $_scs_section_size  }
0x12: {  	s5 =	simm.s32 $_size__tile_overlayer_lowered;
	s6 =	simm.s32 $_tile_overlayer_lowered  }
0x13: {  	s23 =	simm.s32 $0x1BFF;
	s22 =	sshll.u32 s6, $0x1;
	s3 =	sadd.s32 s4, s20  }
0x14: {  	s7 =	simm.s32 $0x0;
	s21 =	sshll.u32 s5, $0x1;
	s5 =	sadd.s32 s22, s3  }
0x15: {  	[timem:s7], [sflag:s23] =	dma.local [hbm:s5], s21  }
0x16: {  	_ =	swait.ge [sflag:s23], s21  }
0x17: {  	s4 =	ssub.s32 $0x0, s21;
	[sflag:s23] =	ssyncset.done $0x0  }
0x18: {  	[sflag:s23] =	ssyncadd.s32 s4;
	_ =	sdelay $0x1  }
0x19: {  	s24 =	simm.s32 $0x1B8B  }
0x1a: {  	_ =	swait.ge [sflag:s24], $0x1  }
0x1b: {  	[sflag:s24] =	ssyncset.done $0x0  }
0x1c: {  	s26 =	simm.s32 $0x1B8E;
	s25 =	sld [smem:$0x3FFE];
	[sflag:s24] =	ssyncadd.s32 $0xFFFFFFFF  }
0x1d: {  	s27 =	simm.s32 $execute0_lowered;
	[smem:$0x3FD2] =	sst s26  }
0x1e: {  	s5 =	sshll.u32 s27, $0x1;
	_ =	strace $0x80000049;
	[dreg:$0x1] =	wrdreg $0xFFFFFFFF  }
0x1f: {  	s28 =	simm.s32 $_size_execute0_lowered;
	s3 =	sadd.s32 s3, s5;
	[dreg:$0x0] =	wrdreg $0x0  }
0x20: {  	s5 =	sshll.u32 s28, $0x1;
	[dreg:$0x2] =	wrdreg s3  }
0x21: {  	[dreg:$0x3] =	wrdreg s5  }
0x22: {  	[dreg:$0x4] =	wrdreg $0xC0  }
0x23: {  	_ =	task [dreg:s7], $0x5FFFF  }
0x24: {  	[dreg:$0x1] =	wrdreg $0xFFFFFFFF  }
0x25: {  	[dreg:$0x0] =	wrdreg $0x60  }
0x26: {  	[dreg:$0x2] =	wrdreg s25  }
0x27: {  	[dreg:$0x3] =	wrdreg s2  }
0x28: {  	[dreg:$0x4] =	wrdreg $0x9  }
0x29: {  	_ =	task.clear_ibuf [dreg:s7], $0x5FFFF;
	_ =	strace $0x90000049  }
0x2a: {  	s29 =	simm.s32 $0x9;
	_ =	strace $0x8000004B  }
0x2b: {  	_ =	swait.ge [sflag:s29], $0x1  }
0x2c: {  	[sflag:s29] =	ssyncadd.s32 $0xFFFFFFFF  }
0x2d: {  	_ =	strace $0x9000004B  }
0x2e: {  	_ =	sfence  }
0x2f: {  	s30 =	sld [smem:$0x0];
	_ =	sdelay $0x2  }
0x30: {  	s31 =	sshll.u32 s1, $0xD;
	s1 =	sshrl.u32 s1, $0x2  }
0x31: {  	s3 =	sand.u32 $0x4000, s31;
	s1 =	sadd.s32 s1, s30  }
0x32: {  	s0 =	sor.u32 s3, s0;
	s1 =	sshll.u32 s1, $0x11  }
0x33: {  	s0 =	sor.u32 s1, s0  }
0x34: {  	s0 =	sadd.s32 $0x8F2B, s0  }
0x35: {  	[sflag:s0] =	ssyncadd.remote.s32 $0x1  }
0x36: {  	_ =	sfence.sel $0xFFFF  }
0x37: {  	[dreg:$0x0] =	wrdreg $0xFFFFFFFF;
	(pc) =	sbr.abs _section_cstart, $3  }
0x38: {  	[dreg:$0x1] =	wrdreg $0xFFFFFFFF  }
0x39: {  	_ =	task.clear_ibuf [dreg:s7], $0x2FFFF;
	_ =	strace $0x9FFFFFFF  }
0x3a: {  	(tm) =	ssettm $0x7FFFFFFF  }
0x3b: {  	_ =	shalt  }
tec
execute0_lowered:
.L_overlay_start_1:
0x0: {  	(tag) =	ssettag $0x1  }
0x1: {  	s0 =	srdreg.scid  }
0x2: {  	s1 =	sshll.u32 s0, $0x4  }
0x3: {  	s0 =	stileid.u32;
	s1 =	sand.u32 $0x10, s1  }
0x4: {  	s1 =	sor.u32 s0, s1  }
0x5: {  	s6 =	rddreg [dreg:$0x0];
	s4 =	simm.s32 $0x1;
	s2 =	sshll.u32 s1, $0x7  }
0x6: {  	s7 =	simm.s32 $0x2;
	s12 =	simm.s32 $0x0;
	s1 =	ssub.s32 $0x4000, s2  }
0x7: {  	s8 =	simm.s32 $0x20000;
	s13 =	simm.s32 $0x0;
	s3 =	sand.u32 $0xF80, s1  }
0x8: {  	s9 =	simm.s32 $0x0;
	s5 =	sshrl.u32 s1, $0xC;
	p0 =	sne.s32 s3, $0x0  }
.Ltmp0:
0x9: {  	s1 =	rddreg [dreg:$0x2];
	s4 =	simm.s32 @!p0 $0x0;
	(pc) =	sbr.rel .LBB1_1-.Ltmp0, $4  }
0xa: {  	s11 =	simm.s32 $0x0;
	s3 =	rddreg [dreg:$0x1];
	s5 =	sadd.s32 s4, s5  }
0xb: {  	_ =	strace $0x8000004A;
	s4 =	simm.s32 $0x1;
	s5 =	smul.u32 $0x32, s5  }
0xc: {  	s6 =	sadd.s32 $0x2800, s6;
	s10 =	smov.u32 s2;
	[sflag:s4] =	ssyncpa.u1 $0x0  }
0xd: {  	p0 =	por $0x0, $0x0;
	[sflag:s7] =	ssyncpa.u1 $0x0;
	s7 =	sor.u32 $0x1, s5  }
.LBB1_4:
0xe: {  	s16 =	sshll.u32 s13, $0x3;
	s17 =	sand.u32 $0x78, s13  }
0xf: {  	s30 =	sand.u32 $0x1F800, s13;
	s12 =	sshll.u32 s12, $0x11;
	s16 =	sand.u32 $0x3C00, s16  }
0x10: {  	[tilespmem:s15+$0x810 ss:$0x81] =	vst.msk $0xffff, v2;
	s31 =	sand.u32 $0x7, s13;
	s16 =	sor.u32 s17, s16;
	s17 =	sadd.s32 s3, s30  }
0x11: {  	[tilespmem:s15+$0x1020 ss:$0x81] =	vst.msk $0xffff, v0;
	s13 =	sshll.u32 s31, $0x12;
	s12 =	sadd.s32 s12, s17;
	s16 =	sshrl.u32 s16, $0x3  }
0x12: {  	[tilespmem:s15+$0x0 ss:$0x81] =	vst.msk $0xffff, v1;
	s13 =	sor.u32 $0x400, s13;
	s12 =	sadd.s32 s16, s12  }
0x13: {  	[hbm4b:s12+s13] =	stream.strided.scatter [tilespmem:s14], [sflag:$0x2], $0x2000, s8, s13, $0x20;
	[tilespmem:$0x8080] =	vst v63  }
.LBB1_5:
0x14: {  	s14 =	sadd.s32 $0x1, s9  }
0x15: {  	s12 =	sadd.s32 $0x1000, s10;
	s16 =	smov.u32 s10;
	p2 =	sgt.s32 s14, $0x31  }
0x16: {  	s16 =	smov.u32 @p2 s12  }
0x17: {  	s14 =	simm.s32 @p2 $0x0;
	p2 =	sgt.s32 s16, $0x3FFF  }
0x18: {  	s16 =	smov.u32 @p2 s2;
	p2 =	sne.s32 s11, s7  }
.Ltmp1:
0x19: {  	p1 =	slt.u32 s11, $0x2;
	(pc) =	sbr.rel @!p2 .LBB1_6-.Ltmp1, $4  }
0x1a: {  	s15 =	simm.s32 @!p1 $0x2  }
0x1b: {  	s13 =	smov.u32 s10;
	p0 =	por !p0, !p0;
	_ =	swait.ge @!p1 [sflag:s15], $0x2000  }
0x1c: {  	s12 =	smov.u32 s9;
	[sflag:s15] =	ssyncset.done @!p1 $0x0;
	s9 =	smov.u32 s14  }
0x1d: {  	s11 =	sadd.s32 $0x1, s11;
	[sflag:s15] =	ssyncadd.s32 @!p1 $0xFFFFE000;
	s10 =	smov.u32 s16  }
.LBB1_1:
0x1e: {  	p1 =	sge.u32 s11, s5  }
0x1f: {  	s14 =	sand.u32 @!p1 $0x1FFFFFF, s9  }
0x20: {  	s15 =	smulhi.u32 @!p1 $0x4924925, s14;
	_ =	sdelay $0x1  }
0x21: {  	s15 =	smul.u32 @!p1 $0x38, s15  }
0x22: {  	s16 =	sxor.u32 @!p1 $0xFFFFFFFF, s11;
	s17 =	smul.u32 @!p1 $0x380, s10  }
0x23: {  	s31 =	sadd.s32 $0xFFFFFFFF, s11;
	s16 =	sshll.u32 @!p1 s16, $0xD;
	s14 =	ssub.s32 @!p1 s14, s15  }
0x24: {  	s15 =	sand.u32 @!p1 $0x2000, s16;
	s16 =	sadd.s32 @!p1 s6, s17;
	s14 =	sshll.u32 @!p1 s14, $0x4  }
0x25: {  	s17 =	simm.s32 @!p1 $0x1C00;
	s14 =	sadd.s32 @!p1 s14, s16;
	s16 =	simm.s32 @!p1 $0x40  }
0x26: {  	[tilespmem:s15], [sflag:$0x1] =	stream.strided.gather @!p1 [hbm4b:s14+s16], $0x2000, s17, s16, $0x38;
	[tilespmem:$0x8080] =	vst v63  }
0x27: {  	p1 =	sge.u32 s31, s5  }
.Ltmp2:
0x28: {  	_ = 	snop;
	(pc) =	sbr.rel @p1 .LBB1_5-.Ltmp2, $1  }
0x29: {  	_ =	sdelay $0x3  }
0x2a: {  	s14 =	simm.s32 $0x1  }
0x2b: {  	_ =	swait.ge [sflag:s4], $0x2000;
	s14 =	simm.s32 @!p0 $0x0  }
0x2c: {  	[sflag:s4] =	ssyncset.done $0x0;
	s15 =	sshll.u32 s14, $0xD  }
0x2d: {  	[sflag:s4] =	ssyncadd.s32 $0xFFFFE000;
	s18 =	sor.u32 $0x20, s15  }
0x2e: {  	s14 =	smul.u32 $0x8100, s14;
	v3 =	vld [tilespmem:s18+$0x10]  }
0x2f: {  	s30 =	sand.u32 $0x1, s11;
	v2 =	vld [tilespmem:s18+$0xFFFFFFF0]  }
0x30: {  	s15 =	smul.u32 $0x8100, s30;
	s14 =	sshrl.u32 s14, $0x2;
	v0 =	vld [tilespmem:s18+$0x0]  }
0x31: {  	v1 =	vld [tilespmem:s18+$0xFFFFFFE0];
	s16 =	sor.u32 $0x4000, s14  }
0x32: {  	s31 =	sshrl.u32 s15, $0x2;
	s15 =	sadd.s32 $0x0, s16  }
0x33: {  	s17 =	simm.s32 $0x4;
	s18 =	sadd.s32 $0x40, s18;
	s14 =	sor.u32 $0x4000, s31;
	[tilespmem:s15+$0x1830 ss:$0x81] =	vst.msk $0xffff, v3  }
.LBB1_3:
0x34: {  	v3 =	vld [tilespmem:s18+$0x10];
	p1 =	sne.s32 s17, $0x1FC;
	[tilespmem:s15+$0x810 ss:$0x81] =	vst.msk $0xffff, v2;
	s19 =	smov.u32 s17;
	s17 =	sadd.s32 $0x4, s17  }
.Ltmp3:
0x35: {  	v2 =	vld [tilespmem:s18+$0xFFFFFFF0];
	[tilespmem:s15+$0x1020 ss:$0x81] =	vst.msk $0xffff, v0;
	(pc) =	sbr.rel @p1 .LBB1_3-.Ltmp3, $4  }
0x36: {  	v0 =	vld [tilespmem:s18+$0x0];
	[tilespmem:s15+$0x0 ss:$0x81] =	vst.msk $0xffff, v1  }
0x37: {  	s15 =	sshra.s32 s19, $0x2;
	v1 =	vld [tilespmem:s18+$0xFFFFFFE0]  }
0x38: {  	s15 =	sadd.s32 s15, s16  }
0x39: {  	s18 =	sadd.s32 $0x40, s18;
	[tilespmem:s15+$0x1830 ss:$0x81] =	vst.msk $0xffff, v3  }
.Ltmp4:
0x3a: {  	_ = 	snop;
	(pc) =	sbr.rel .LBB1_4-.Ltmp4, $1  }
0x3b: {  	_ =	sdelay $0x3  }
.LBB1_6:
0x3c: {  	_ =	sfence.sel $0x180000  }
0x3d: {  	s2 =	simm.s32 $0x1;
	[bflag:$0x0] =	sbarrier.arrive $0xFFFF  }
0x3e: {  	s31 =	simm.s32 $0x2;
	[sflag:s2] =	ssyncpa.u1 $0x1  }
0x3f: {  	[sflag:s31] =	ssyncpa.u1 $0x1  }
0x40: {  	p0 =	sne.s32 s0, $0x0;
	_ =	strace $0x9000004A  }
0x41: {  	s0 =	sadd.s32 @!p0 $0x100000, s1;
	[bflag:$0x2] =	sbarrier.arrive $0xFFFF  }
0x42: {  	[sflag:s0] =	ssyncadd.tile.s32 @!p0 $0x1;
	_ =	shalt  }
.Lfunc_end1:
_tile_overlayer_lowered:
.L_overlay_start_2:
0x43: {  	(tag) =	ssettag $0x2  }
0x44: {  	s0 =	rddreg [dreg:$0x0];
	s2 =	stileid.u32  }
0x45: {  	s1 =	rddreg [dreg:$0x1];
	p0 =	sne.s32 s2, $0x0  }
0x46: {  	s3 =	rddreg [dreg:$0x2];
	[bflag:$0x3] =	sbarrier.arrive $0xFFFF;
	s2 =	simm.s32 @!p0 $0x1C01  }
0x47: {  	[timem:s3], [sflag:s2] =	dma.local @!p0 [hbm:s0], s1  }
0x48: {  	s0 =	simm.s32 @!p0 $0x1  }
0x49: {  	_ =	swait.ge @!p0 [sflag:s0], s1  }
0x4a: {  	s1 =	ssub.s32 @!p0 $0x0, s1;
	[sflag:s0] =	ssyncset.done @!p0 $0x0  }
0x4b: {  	[sflag:s0] =	ssyncadd.s32 @!p0 s1  }
0x4c: {  	[bflag:$0x3] =	sbarrier.arrive $0xFFFF  }
0x4d: {  	_ =	shalt  }

</sc_bundles>
